<compile_context>
chip_gen: v7x
topology: tpu7x:2x2x1
jax: 0.10.2.dev20260603
libtpu: 0.0.44.dev20260713+nightly
codegen_flags: <defaults>
</compile_context>

<pallas_src>
import jax
import jax.numpy as jnp
from jax.experimental import pallas as pl
from jax.experimental.pallas import tpu as pltpu

N = 20000
IOU_THR = 0.5
SCORE_THR = 0.1
MAX_KEEP = 256
NEG = -1e10

_T = 256
_NT_FULL = 80
_PAD_N = _NT_FULL * _T
_K = 512

_HP = jax.lax.Precision.DEFAULT


def _outer(col, other):
    return jax.lax.dot_general(col, other, (((0,), (0,)), ((), ())),
                               precision=_HP)


def _make_body(nt):
    def _nms_body(ss_ref, x1_ref, y1_ref, x2_ref, y2_ref, out_ref, flag_ref):
        ones_row = jnp.ones((1, _T), jnp.float32)
        ones11 = jnp.ones((1, 1), jnp.float32)
        row_i = jax.lax.broadcasted_iota(jnp.int32, (_T, _T), 0)
        col_i = jax.lax.broadcasted_iota(jnp.int32, (_T, _T), 1)
        eye = (row_i == col_i).astype(jnp.float32)
        lower_tri = (row_i <= col_i).astype(jnp.float32)
        lane128 = jax.lax.broadcasted_iota(jnp.int32, (1, 128), 1)

        def to_col(v_row):
            return jax.lax.dot_general(v_row, eye, (((0,), (0,)), ((), ())),
                                       precision=_HP)

        def to_row(v_col):
            return jax.lax.dot_general(v_col, ones11, (((0,), (0,)), ((), ())),
                                       precision=_HP)

        def body(carry):
            t, c, _, _, kx1, ky1, kx2, ky2, ks = carry
            sc = ss_ref[pl.ds(t, 1), :, :].reshape(1, _T)
            xc1 = x1_ref[pl.ds(t, 1), :, :].reshape(1, _T)
            yc1 = y1_ref[pl.ds(t, 1), :, :].reshape(1, _T)
            xc2 = x2_ref[pl.ds(t, 1), :, :].reshape(1, _T)
            yc2 = y2_ref[pl.ds(t, 1), :, :].reshape(1, _T)
            areac = jnp.maximum(xc2 - xc1, 0.0) * jnp.maximum(yc2 - yc1, 0.0)
            rx1 = _outer(xc1, ones_row)
            ry1 = _outer(yc1, ones_row)
            rx2 = _outer(xc2, ones_row)
            ry2 = _outer(yc2, ones_row)
            rarea = _outer(areac, ones_row)

            karea = jnp.maximum(kx2 - kx1, 0.0) * jnp.maximum(ky2 - ky1, 0.0)
            iw = jnp.maximum(jnp.minimum(rx2, kx2) - jnp.maximum(rx1, kx1),
                             0.0)
            ih = jnp.maximum(jnp.minimum(ry2, ky2) - jnp.maximum(ry1, ky1),
                             0.0)
            inter = iw * ih
            iou_k = inter / (karea + rarea - inter + 1e-6)
            sup_k = jnp.any(iou_k > IOU_THR, axis=1, keepdims=True)

            s_row = to_row(sc)
            cand = (s_row > SCORE_THR) & jnp.logical_not(sup_k)

            iw = jnp.maximum(jnp.minimum(rx2, xc2) - jnp.maximum(rx1, xc1),
                             0.0)
            ih = jnp.maximum(jnp.minimum(ry2, yc2) - jnp.maximum(ry1, yc1),
                             0.0)
            inter = iw * ih
            iou_s = inter / (areac + rarea - inter + 1e-6)
            sup_s = (iou_s > IOU_THR) & (col_i < row_i)

            e_row0 = 1.0 - cand.astype(jnp.float32)
            e_col0 = to_col(e_row0)

            def fix_cond(st):
                return st[2]

            def fix_body(st):
                e_row, e_col, _ = st
                supin = jnp.any(sup_s & (e_col < 0.5), axis=1, keepdims=True)
                d = (e_row < 0.5) & jnp.logical_not(supin)
                d_col = to_col(d.astype(jnp.float32)) > 0.5
                elim = jnp.any(sup_s & d_col, axis=1, keepdims=True)
                e_new = jnp.maximum(e_row, elim.astype(jnp.float32))
                changed = jnp.any(e_new != e_row)
                return e_new, to_col(e_new), changed
            e_row, e_col, _ = jax.lax.while_loop(
                fix_cond, fix_body, (e_row0, e_col0, jnp.bool_(True)))
            supin = jnp.any(sup_s & (e_col < 0.5), axis=1, keepdims=True)
            keep = (e_row < 0.5) & jnp.logical_not(supin)

            keep_col = to_col(keep.astype(jnp.float32))
            cum = jax.lax.dot_general(keep_col, lower_tri,
                                      (((1,), (0,)), ((), ())),
                                      precision=_HP)
            pos = (cum - 1.0) + c.astype(jnp.float32)
            pos_row = to_row(pos)
            oh = ((col_i == jnp.round(pos_row).astype(jnp.int32))
                  & (to_row(keep_col) > 0.5)).astype(jnp.float32)

            def gather(vals_col):
                return jax.lax.dot_general(vals_col, oh,
                                           (((1,), (0,)), ((), ())),
                                           precision=_HP)
            kx1 = kx1 + gather(xc1)
            ky1 = ky1 + gather(yc1)
            kx2 = kx2 + gather(xc2)
            ky2 = ky2 + gather(yc2)
            ks = ks + gather(sc)
            nk = jnp.sum(keep_col).astype(jnp.int32)
            c_new = c + nk

            t_new = t + 1
            t_clamped = jnp.minimum(t_new, nt - 1)
            nxt = ss_ref[pl.ds(t_clamped, 1), :, pl.ds(0, 1)][0, 0, 0]
            in_range = t_new < nt
            below = in_range & (nxt <= SCORE_THR)
            has_more = in_range & (nxt > SCORE_THR)
            return (t_new, c_new, has_more, below,
                    kx1, ky1, kx2, ky2, ks)

        def cond(carry):
            _, c, has_more = carry[0], carry[1], carry[2]
            return (c < MAX_KEEP) & has_more

        z = jnp.zeros((1, _T), jnp.float32)
        first = ss_ref[0, 0, 0] > SCORE_THR
        init = (jnp.int32(0), jnp.int32(0), first, jnp.logical_not(first),
                z, z, z, z, z)
        _, c, _, below, kx1, ky1, kx2, ky2, ks = jax.lax.while_loop(
            cond, body, init)

        out = (jnp.where(lane128 == 0, to_row(kx1), 0.0)
               + jnp.where(lane128 == 1, to_row(ky1), 0.0)
               + jnp.where(lane128 == 2, to_row(kx2), 0.0)
               + jnp.where(lane128 == 3, to_row(ky2), 0.0)
               + jnp.where(lane128 == 4, to_row(ks), 0.0))
        out_ref[...] = out
        done = (c >= MAX_KEEP) | below
        flag_ref[...] = (jnp.where(lane128 == 0, c.astype(jnp.float32), 0.0)
                         + jnp.where(lane128 == 1,
                                     done.astype(jnp.float32), 0.0))
    return _nms_body


def _run_nms(nt, ss, x1, y1, x2, y2):
    return pl.pallas_call(
        _make_body(nt),
        out_shape=(jax.ShapeDtypeStruct((MAX_KEEP, 128), jnp.float32),
                   jax.ShapeDtypeStruct((1, 128), jnp.float32)),
        in_specs=[pl.BlockSpec((nt, 1, _T), lambda: (0, 0, 0))] * 5,
        out_specs=(pl.BlockSpec((MAX_KEEP, 128), lambda: (0, 0)),
                   pl.BlockSpec((1, 128), lambda: (0, 0))),
    )(ss, x1, y1, x2, y2)


def kernel(boxes, scores):
    topv, topi = jax.lax.top_k(scores, _K)
    bk = boxes[topi]
    out_fast, flags = _run_nms(
        _K // _T,
        topv.reshape(_K // _T, 1, _T),
        bk[:, 0].reshape(_K // _T, 1, _T),
        bk[:, 1].reshape(_K // _T, 1, _T),
        bk[:, 2].reshape(_K // _T, 1, _T),
        bk[:, 3].reshape(_K // _T, 1, _T),
    )
    certified = (flags[0, 1] > 0.5) | (topv[_K - 1] <= SCORE_THR)

    def fast(_):
        return out_fast[:, :5]

    def full(_):
        s0 = jnp.where(scores > SCORE_THR, scores, NEG)
        s0 = jnp.pad(s0, (0, _PAD_N - N), constant_values=NEG)
        bp = jnp.pad(boxes, ((0, _PAD_N - N), (0, 0)))
        order = jnp.argsort(-s0)
        ss = s0[order].reshape(_NT_FULL, 1, _T)
        bs = bp[order]
        out_full, _ = _run_nms(
            _NT_FULL,
            ss,
            bs[:, 0].reshape(_NT_FULL, 1, _T),
            bs[:, 1].reshape(_NT_FULL, 1, _T),
            bs[:, 2].reshape(_NT_FULL, 1, _T),
            bs[:, 3].reshape(_NT_FULL, 1, _T),
        )
        return out_full[:, :5]

    return jax.lax.cond(certified, fast, full, operand=None)

# --- scband reference (transcript-rebuilt; emitter-appended) ---
"""Pipeline reference for scband-frustum-proposer-seg-29025388987120 (READ-ONLY COPY).

The authoritative reference and input builder live on the scoring server;
editing this copy changes nothing except your own understanding.
"""

import jax, jax.numpy as jnp
import numpy as np

N = 20000
IOU_THR = 0.5
SCORE_THR = 0.1
MAX_KEEP = 256
NEG = -1e10


def setup_inputs(seed: int = 0) -> dict:
    key = jax.random.key(seed)
    k1, k2 = jax.random.split(key)
    u = jax.random.uniform(k1, (N, 4), dtype=jnp.float32)
    xy = u[:, :2] * 1000.0
    wh = u[:, 2:] * 100.0 + 1.0
    boxes = jnp.concatenate([xy, xy + wh], axis=1)  # valid [x1,y1,x2,y2]
    scores = jax.random.uniform(k2, (N,), dtype=jnp.float32)
    return {"boxes": boxes, "scores": scores}


def _iou_one_vs_all(box, boxes):
    x1 = jnp.maximum(box[0], boxes[:, 0])
    y1 = jnp.maximum(box[1], boxes[:, 1])
    x2 = jnp.minimum(box[2], boxes[:, 2])
    y2 = jnp.minimum(box[3], boxes[:, 3])
    iw = jnp.clip(x2 - x1, 0.0, None)
    ih = jnp.clip(y2 - y1, 0.0, None)
    inter = iw * ih
    a1 = jnp.clip(box[2] - box[0], 0.0, None) * jnp.clip(box[3] - box[1], 0.0, None)
    a2 = jnp.clip(boxes[:, 2] - boxes[:, 0], 0.0, None) * jnp.clip(boxes[:, 3] - boxes[:, 1], 0.0, None)
    return inter / (a1 + a2 - inter + 1e-6)


def reference(boxes, scores):
    # Greedy class-agnostic NMS with score thresholding, as used inside the
    # FrustumProposerSEG proposal filtering stage (score_thr + nms on proposals).
    s0 = jnp.where(scores > SCORE_THR, scores, NEG)

    def body(s_cur, _):
        idx = jnp.argmax(s_cur)                 # pick highest remaining score
        best = s_cur[idx]                       # gather
        box = boxes[idx]                        # gather
        iou = _iou_one_vs_all(box, boxes)       # stream over all N boxes
        valid = best > (NEG / 2.0)
        suppress = (iou > IOU_THR) & valid
        s_next = jnp.where(suppress, NEG, s_cur)
        s_next = s_next.at[idx].set(NEG)        # scatter-overwrite
        kept_score = jnp.where(valid, best, 0.0)
        kept_box = jnp.where(valid, box, jnp.zeros_like(box))
        return s_next, jnp.concatenate([kept_box, kept_score[None]], axis=0)

    _, kept = jax.lax.scan(body, s0, None, length=MAX_KEEP)
    return kept  # [MAX_KEEP, 5] = [x1,y1,x2,y2,score] per kept detection

if __name__ == "__main__":
    import jax
    _d = setup_inputs()
    print(jax.jit(kernel)(*tuple(_d.values())))

</pallas_src>

<mosaic_0001>
module attributes {stable_mosaic.version = 14 : i64} {
  func.func @_nms_body(%arg0: memref<2x1x256xf32, #tpu.memory_space<vmem>>, %arg1: memref<2x1x256xf32, #tpu.memory_space<vmem>>, %arg2: memref<2x1x256xf32, #tpu.memory_space<vmem>>, %arg3: memref<2x1x256xf32, #tpu.memory_space<vmem>>, %arg4: memref<2x1x256xf32, #tpu.memory_space<vmem>>, %arg5: memref<256x128xf32, #tpu.memory_space<vmem>>, %arg6: memref<1x128xf32, #tpu.memory_space<vmem>>) attributes {dimension_semantics = [], scalar_prefetch = 0 : i64, scratch_operands = 0 : i64, tpu.core_type = #tpu.core_type<tc>} {
    %broadcast_in_dim3A = arith.constant 1.000000e+00 : f32
    %broadcast_in_dim3A_0 = vector.broadcast %broadcast_in_dim3A : f32 to vector<1x256xf32>
    %broadcast_in_dim3A_1 = arith.constant 1.000000e+00 : f32
    %broadcast_in_dim3A_2 = vector.broadcast %broadcast_in_dim3A_1 : f32 to vector<1x1xf32>
    %iota3A = tpu.iota {dimensions = array<i32: 0>} : vector<256x256xi32>
    %iota3A_3 = tpu.iota {dimensions = array<i32: 1>} : vector<256x256xi32>
    %eq3A = arith.cmpi eq, %iota3A, %iota3A_3 : vector<256x256xi32>
    %convert_element_type3A = arith.extui %eq3A : vector<256x256xi1> to vector<256x256xi32>
    %convert_element_type3A_4 = arith.sitofp %convert_element_type3A : vector<256x256xi32> to vector<256x256xf32>
    %le3A = arith.cmpi sle, %iota3A, %iota3A_3 : vector<256x256xi32>
    %convert_element_type3A_5 = arith.extui %le3A : vector<256x256xi1> to vector<256x256xi32>
    %convert_element_type3A_6 = arith.sitofp %convert_element_type3A_5 : vector<256x256xi32> to vector<256x256xf32>
    %iota3A_7 = tpu.iota {dimensions = array<i32: 1>} : vector<1x128xi32>
    %broadcast_in_dim3A_8 = arith.constant 0.000000e+00 : f32
    %broadcast_in_dim3A_9 = vector.broadcast %broadcast_in_dim3A_8 : f32 to vector<1x256xf32>
    %get3A = arith.constant 0 : index
    %get3A_10 = arith.constant 0 : index
    %get3A_11 = arith.constant 0 : index
    %get3A_12 = vector.load %arg0[%get3A, %get3A_10, %get3A_11] : memref<2x1x256xf32, #tpu.memory_space<vmem>>, vector<1x1x1xf32>
    %get3A_13 = vector.extract %get3A_12[0, 0, 0] : f32 from vector<1x1x1xf32>
    %gt3A = arith.constant 1.000000e-01 : f32
    %gt3A_14 = arith.cmpf ogt, %get3A_13, %gt3A : f32
    %not3A = arith.constant true
    %not3A_15 = arith.xori %gt3A_14, %not3A : i1
    %while3A = arith.constant 0 : i32
    %while3A_16 = arith.constant 0 : i32
    %while3A_17:9 = scf.while (%while3A_102 = %while3A, %while3A_103 = %while3A_16, %while3A_104 = %gt3A_14, %while3A_105 = %not3A_15, %while3A_106 = %broadcast_in_dim3A_9, %while3A_107 = %broadcast_in_dim3A_9, %while3A_108 = %broadcast_in_dim3A_9, %while3A_109 = %broadcast_in_dim3A_9, %while3A_110 = %broadcast_in_dim3A_9) : (i32, i32, i1, i1, vector<1x256xf32>, vector<1x256xf32>, vector<1x256xf32>, vector<1x256xf32>, vector<1x256xf32>) -> (i32, i32, i1, i1, vector<1x256xf32>, vector<1x256xf32>, vector<1x256xf32>, vector<1x256xf32>, vector<1x256xf32>) {
      %lt3A = arith.constant 256 : i32
      %lt3A_111 = arith.cmpi slt, %while3A_103, %lt3A : i32
      %and3A = arith.andi %lt3A_111, %while3A_104 : i1
      scf.condition(%and3A) %while3A_102, %while3A_103, %while3A_104, %while3A_105, %while3A_106, %while3A_107, %while3A_108, %while3A_109, %while3A_110 : i32, i32, i1, i1, vector<1x256xf32>, vector<1x256xf32>, vector<1x256xf32>, vector<1x256xf32>, vector<1x256xf32>
    } do {
    ^bb0(%while3A_102: i32, %while3A_103: i32, %while3A_104: i1, %while3A_105: i1, %while3A_106: vector<1x256xf32>, %while3A_107: vector<1x256xf32>, %while3A_108: vector<1x256xf32>, %while3A_109: vector<1x256xf32>, %while3A_110: vector<1x256xf32>):
      %get3A_111 = arith.index_cast %while3A_102 : i32 to index
      %get3A_112 = arith.constant 0 : index
      %get3A_113 = arith.constant 0 : index
      %get3A_114 = vector.load %arg0[%get3A_111, %get3A_112, %get3A_113] : memref<2x1x256xf32, #tpu.memory_space<vmem>>, vector<1x1x256xf32>
      %reshape3A = vector.shape_cast %get3A_114 : vector<1x1x256xf32> to vector<1x256xf32>
      %get3A_115 = arith.index_cast %while3A_102 : i32 to index
      %get3A_116 = arith.constant 0 : index
      %get3A_117 = arith.constant 0 : index
      %get3A_118 = vector.load %arg1[%get3A_115, %get3A_116, %get3A_117] : memref<2x1x256xf32, #tpu.memory_space<vmem>>, vector<1x1x256xf32>
      %reshape3A_119 = vector.shape_cast %get3A_118 : vector<1x1x256xf32> to vector<1x256xf32>
      %get3A_120 = arith.index_cast %while3A_102 : i32 to index
      %get3A_121 = arith.constant 0 : index
      %get3A_122 = arith.constant 0 : index
      %get3A_123 = vector.load %arg2[%get3A_120, %get3A_121, %get3A_122] : memref<2x1x256xf32, #tpu.memory_space<vmem>>, vector<1x1x256xf32>
      %reshape3A_124 = vector.shape_cast %get3A_123 : vector<1x1x256xf32> to vector<1x256xf32>
      %get3A_125 = arith.index_cast %while3A_102 : i32 to index
      %get3A_126 = arith.constant 0 : index
      %get3A_127 = arith.constant 0 : index
      %get3A_128 = vector.load %arg3[%get3A_125, %get3A_126, %get3A_127] : memref<2x1x256xf32, #tpu.memory_space<vmem>>, vector<1x1x256xf32>
      %reshape3A_129 = vector.shape_cast %get3A_128 : vector<1x1x256xf32> to vector<1x256xf32>
      %get3A_130 = arith.index_cast %while3A_102 : i32 to index
      %get3A_131 = arith.constant 0 : index
      %get3A_132 = arith.constant 0 : index
      %get3A_133 = vector.load %arg4[%get3A_130, %get3A_131, %get3A_132] : memref<2x1x256xf32, #tpu.memory_space<vmem>>, vector<1x1x256xf32>
      %reshape3A_134 = vector.shape_cast %get3A_133 : vector<1x1x256xf32> to vector<1x256xf32>
      %sub3A = arith.subf %reshape3A_129, %reshape3A_119 : vector<1x256xf32>
      %max3A = arith.constant 0.000000e+00 : f32
      %max3A_135 = vector.broadcast %max3A : f32 to vector<1x256xf32>
      %max3A_136 = arith.maximumf %sub3A, %max3A_135 : vector<1x256xf32>
      %sub3A_137 = arith.subf %reshape3A_134, %reshape3A_124 : vector<1x256xf32>
      %max3A_138 = arith.constant 0.000000e+00 : f32
      %max3A_139 = vector.broadcast %max3A_138 : f32 to vector<1x256xf32>
      %max3A_140 = arith.maximumf %sub3A_137, %max3A_139 : vector<1x256xf32>
      %mul3A = arith.mulf %max3A_136, %max3A_140 : vector<1x256xf32>
      %dot_general3A_141 = arith.constant dense<0.000000e+00> : vector<256x256xf32>
      %dot_general3A_142 = tpu.matmul %reshape3A_119, %broadcast_in_dim3A_0, %dot_general3A_141 {dimension_numbers = #tpu.dot_dimension_numbers<[0], [0], [1], [1], [0, 1, 1, 1], [], []>, transpose_lhs_hint = false} : vector<1x256xf32>, vector<1x256xf32>, vector<256x256xf32> -> vector<256x256xf32>
      %dot_general3A_143 = arith.constant dense<0.000000e+00> : vector<256x256xf32>
      %dot_general3A_144 = tpu.matmul %reshape3A_124, %broadcast_in_dim3A_0, %dot_general3A_143 {dimension_numbers = #tpu.dot_dimension_numbers<[0], [0], [1], [1], [0, 1, 1, 1], [], []>, transpose_lhs_hint = false} : vector<1x256xf32>, vector<1x256xf32>, vector<256x256xf32> -> vector<256x256xf32>
      %dot_general3A_145 = arith.constant dense<0.000000e+00> : vector<256x256xf32>
      %dot_general3A_146 = tpu.matmul %reshape3A_129, %broadcast_in_dim3A_0, %dot_general3A_145 {dimension_numbers = #tpu.dot_dimension_numbers<[0], [0], [1], [1], [0, 1, 1, 1], [], []>, transpose_lhs_hint = false} : vector<1x256xf32>, vector<1x256xf32>, vector<256x256xf32> -> vector<256x256xf32>
      %dot_general3A_147 = arith.constant dense<0.000000e+00> : vector<256x256xf32>
      %dot_general3A_148 = tpu.matmul %reshape3A_134, %broadcast_in_dim3A_0, %dot_general3A_147 {dimension_numbers = #tpu.dot_dimension_numbers<[0], [0], [1], [1], [0, 1, 1, 1], [], []>, transpose_lhs_hint = false} : vector<1x256xf32>, vector<1x256xf32>, vector<256x256xf32> -> vector<256x256xf32>
      %dot_general3A_149 = arith.constant dense<0.000000e+00> : vector<256x256xf32>
      %dot_general3A_150 = tpu.matmul %mul3A, %broadcast_in_dim3A_0, %dot_general3A_149 {dimension_numbers = #tpu.dot_dimension_numbers<[0], [0], [1], [1], [0, 1, 1, 1], [], []>, transpose_lhs_hint = false} : vector<1x256xf32>, vector<1x256xf32>, vector<256x256xf32> -> vector<256x256xf32>
      %sub3A_151 = arith.subf %while3A_108, %while3A_106 : vector<1x256xf32>
      %max3A_152 = arith.constant 0.000000e+00 : f32
      %max3A_153 = vector.broadcast %max3A_152 : f32 to vector<1x256xf32>
      %max3A_154 = arith.maximumf %sub3A_151, %max3A_153 : vector<1x256xf32>
      %sub3A_155 = arith.subf %while3A_109, %while3A_107 : vector<1x256xf32>
      %max3A_156 = arith.constant 0.000000e+00 : f32
      %max3A_157 = vector.broadcast %max3A_156 : f32 to vector<1x256xf32>
      %max3A_158 = arith.maximumf %sub3A_155, %max3A_157 : vector<1x256xf32>
      %mul3A_159 = arith.mulf %max3A_154, %max3A_158 : vector<1x256xf32>
      %min3A = vector.broadcast %while3A_108 : vector<1x256xf32> to vector<256x256xf32>
      %min3A_160 = arith.minimumf %dot_general3A_146, %min3A : vector<256x256xf32>
      %max3A_161 = vector.broadcast %while3A_106 : vector<1x256xf32> to vector<256x256xf32>
      %max3A_162 = arith.maximumf %dot_general3A_142, %max3A_161 : vector<256x256xf32>
      %sub3A_163 = arith.subf %min3A_160, %max3A_162 : vector<256x256xf32>
      %max3A_164 = arith.constant 0.000000e+00 : f32
      %max3A_165 = vector.broadcast %max3A_164 : f32 to vector<256x256xf32>
      %max3A_166 = arith.maximumf %sub3A_163, %max3A_165 : vector<256x256xf32>
      %min3A_167 = vector.broadcast %while3A_109 : vector<1x256xf32> to vector<256x256xf32>
      %min3A_168 = arith.minimumf %dot_general3A_148, %min3A_167 : vector<256x256xf32>
      %max3A_169 = vector.broadcast %while3A_107 : vector<1x256xf32> to vector<256x256xf32>
      %max3A_170 = arith.maximumf %dot_general3A_144, %max3A_169 : vector<256x256xf32>
      %sub3A_171 = arith.subf %min3A_168, %max3A_170 : vector<256x256xf32>
      %max3A_172 = arith.constant 0.000000e+00 : f32
      %max3A_173 = vector.broadcast %max3A_172 : f32 to vector<256x256xf32>
      %max3A_174 = arith.maximumf %sub3A_171, %max3A_173 : vector<256x256xf32>
      %mul3A_175 = arith.mulf %max3A_166, %max3A_174 : vector<256x256xf32>
      %add3A_176 = vector.broadcast %mul3A_159 : vector<1x256xf32> to vector<256x256xf32>
      %add3A_177 = arith.addf %add3A_176, %dot_general3A_150 : vector<256x256xf32>
      %sub3A_178 = arith.subf %add3A_177, %mul3A_175 : vector<256x256xf32>
      %add3A_179 = arith.constant 9.99999997E-7 : f32
      %add3A_180 = vector.broadcast %add3A_179 : f32 to vector<256x256xf32>
      %add3A_181 = arith.addf %sub3A_178, %add3A_180 : vector<256x256xf32>
      %div3A = arith.divf %mul3A_175, %add3A_181 : vector<256x256xf32>
      %gt3A_182 = arith.constant 5.000000e-01 : f32
      %gt3A_183 = vector.broadcast %gt3A_182 : f32 to vector<256x256xf32>
      %gt3A_184 = arith.cmpf ogt, %div3A, %gt3A_183 : vector<256x256xf32>
      %reduce_or3A = arith.constant 1.000000e+00 : f32
      %reduce_or3A_185 = arith.constant 0.000000e+00 : f32
      %reduce_or3A_186 = vector.broadcast %reduce_or3A : f32 to vector<256x256xf32>
      %reduce_or3A_187 = vector.broadcast %reduce_or3A_185 : f32 to vector<256x256xf32>
      %reduce_or3A_188 = arith.select %gt3A_184, %reduce_or3A_186, %reduce_or3A_187 : vector<256x256xi1>, vector<256x256xf32>
      %reduce_or3A_189 = arith.constant dense<0xFF800000> : vector<256xf32>
      %reduce_or3A_190 = vector.multi_reduction <maximumf>, %reduce_or3A_188, %reduce_or3A_189 [1] : vector<256x256xf32> to vector<256xf32>
      %reduce_or3A_191 = arith.constant 0.000000e+00 : f32
      %reduce_or3A_192 = vector.broadcast %reduce_or3A_191 : f32 to vector<256xf32>
      %reduce_or3A_193 = arith.cmpf ogt, %reduce_or3A_190, %reduce_or3A_192 : vector<256xf32>
      %broadcast_in_dim3A_194 = vector.shape_cast %reduce_or3A_193 : vector<256xi1> to vector<256x1xi1>
      %dot_general3A_195 = arith.constant dense<0.000000e+00> : vector<256x1xf32>
      %dot_general3A_196 = tpu.matmul %reshape3A, %broadcast_in_dim3A_2, %dot_general3A_195 {dimension_numbers = #tpu.dot_dimension_numbers<[0], [0], [1], [1], [0, 1, 1, 1], [], []>, transpose_lhs_hint = false} : vector<1x256xf32>, vector<1x1xf32>, vector<256x1xf32> -> vector<256x1xf32>
      %gt3A_197 = arith.constant 1.000000e-01 : f32
      %gt3A_198 = vector.broadcast %gt3A_197 : f32 to vector<256x1xf32>
      %gt3A_199 = arith.cmpf ogt, %dot_general3A_196, %gt3A_198 : vector<256x1xf32>
      %not3A_200 = arith.constant dense<true> : vector<256x1xi1>
      %not3A_201 = arith.xori %broadcast_in_dim3A_194, %not3A_200 : vector<256x1xi1>
      %and3A = arith.andi %gt3A_199, %not3A_201 : vector<256x1xi1>
      %min3A_202 = vector.broadcast %reshape3A_129 : vector<1x256xf32> to vector<256x256xf32>
      %min3A_203 = arith.minimumf %dot_general3A_146, %min3A_202 : vector<256x256xf32>
      %max3A_204 = vector.broadcast %reshape3A_119 : vector<1x256xf32> to vector<256x256xf32>
      %max3A_205 = arith.maximumf %dot_general3A_142, %max3A_204 : vector<256x256xf32>
      %sub3A_206 = arith.subf %min3A_203, %max3A_205 : vector<256x256xf32>
      %max3A_207 = arith.constant 0.000000e+00 : f32
      %max3A_208 = vector.broadcast %max3A_207 : f32 to vector<256x256xf32>
      %max3A_209 = arith.maximumf %sub3A_206, %max3A_208 : vector<256x256xf32>
      %min3A_210 = vector.broadcast %reshape3A_134 : vector<1x256xf32> to vector<256x256xf32>
      %min3A_211 = arith.minimumf %dot_general3A_148, %min3A_210 : vector<256x256xf32>
      %max3A_212 = vector.broadcast %reshape3A_124 : vector<1x256xf32> to vector<256x256xf32>
      %max3A_213 = arith.maximumf %dot_general3A_144, %max3A_212 : vector<256x256xf32>
      %sub3A_214 = arith.subf %min3A_211, %max3A_213 : vector<256x256xf32>
      %max3A_215 = arith.constant 0.000000e+00 : f32
      %max3A_216 = vector.broadcast %max3A_215 : f32 to vector<256x256xf32>
      %max3A_217 = arith.maximumf %sub3A_214, %max3A_216 : vector<256x256xf32>
      %mul3A_218 = arith.mulf %max3A_209, %max3A_217 : vector<256x256xf32>
      %add3A_219 = vector.broadcast %mul3A : vector<1x256xf32> to vector<256x256xf32>
      %add3A_220 = arith.addf %add3A_219, %dot_general3A_150 : vector<256x256xf32>
      %sub3A_221 = arith.subf %add3A_220, %mul3A_218 : vector<256x256xf32>
      %add3A_222 = arith.constant 9.99999997E-7 : f32
      %add3A_223 = vector.broadcast %add3A_222 : f32 to vector<256x256xf32>
      %add3A_224 = arith.addf %sub3A_221, %add3A_223 : vector<256x256xf32>
      %div3A_225 = arith.divf %mul3A_218, %add3A_224 : vector<256x256xf32>
      %gt3A_226 = arith.constant 5.000000e-01 : f32
      %gt3A_227 = vector.broadcast %gt3A_226 : f32 to vector<256x256xf32>
      %gt3A_228 = arith.cmpf ogt, %div3A_225, %gt3A_227 : vector<256x256xf32>
      %lt3A = arith.cmpi slt, %iota3A_3, %iota3A : vector<256x256xi32>
      %and3A_229 = arith.andi %gt3A_228, %lt3A : vector<256x256xi1>
      %convert_element_type3A_230 = arith.extui %and3A : vector<256x1xi1> to vector<256x1xi32>
      %convert_element_type3A_231 = arith.sitofp %convert_element_type3A_230 : vector<256x1xi32> to vector<256x1xf32>
      %sub3A_232 = arith.constant 1.000000e+00 : f32
      %sub3A_233 = vector.broadcast %sub3A_232 : f32 to vector<256x1xf32>
      %sub3A_234 = arith.subf %sub3A_233, %convert_element_type3A_231 : vector<256x1xf32>
      %dot_general3A_235 = arith.constant dense<0.000000e+00> : vector<1x256xf32>
      %dot_general3A_236 = tpu.matmul %sub3A_234, %convert_element_type3A_4, %dot_general3A_235 {dimension_numbers = #tpu.dot_dimension_numbers<[0], [0], [1], [1], [0, 1, 1, 1], [], []>, transpose_lhs_hint = false} : vector<256x1xf32>, vector<256x256xf32>, vector<1x256xf32> -> vector<1x256xf32>
      %while3A_237 = arith.constant true
      %while3A_238:3 = scf.while (%while3A_324 = %sub3A_234, %while3A_325 = %dot_general3A_236, %while3A_326 = %while3A_237) : (vector<256x1xf32>, vector<1x256xf32>, i1) -> (vector<256x1xf32>, vector<1x256xf32>, i1) {
        scf.condition(%while3A_326) %while3A_324, %while3A_325, %while3A_326 : vector<256x1xf32>, vector<1x256xf32>, i1
      } do {
      ^bb0(%while3A_324: vector<256x1xf32>, %while3A_325: vector<1x256xf32>, %while3A_326: i1):
        %lt3A_327 = arith.constant 5.000000e-01 : f32
        %lt3A_328 = vector.broadcast %lt3A_327 : f32 to vector<1x256xf32>
        %lt3A_329 = arith.cmpf olt, %while3A_325, %lt3A_328 : vector<1x256xf32>
        %and3A_330 = vector.broadcast %lt3A_329 : vector<1x256xi1> to vector<256x256xi1>
        %and3A_331 = arith.andi %and3A_229, %and3A_330 : vector<256x256xi1>
        %reduce_or3A_332 = arith.constant 1.000000e+00 : f32
        %reduce_or3A_333 = arith.constant 0.000000e+00 : f32
        %reduce_or3A_334 = vector.broadcast %reduce_or3A_332 : f32 to vector<256x256xf32>
        %reduce_or3A_335 = vector.broadcast %reduce_or3A_333 : f32 to vector<256x256xf32>
        %reduce_or3A_336 = arith.select %and3A_331, %reduce_or3A_334, %reduce_or3A_335 : vector<256x256xi1>, vector<256x256xf32>
        %reduce_or3A_337 = arith.constant dense<0xFF800000> : vector<256xf32>
        %reduce_or3A_338 = vector.multi_reduction <maximumf>, %reduce_or3A_336, %reduce_or3A_337 [1] : vector<256x256xf32> to vector<256xf32>
        %reduce_or3A_339 = arith.constant 0.000000e+00 : f32
        %reduce_or3A_340 = vector.broadcast %reduce_or3A_339 : f32 to vector<256xf32>
        %reduce_or3A_341 = arith.cmpf ogt, %reduce_or3A_338, %reduce_or3A_340 : vector<256xf32>
        %broadcast_in_dim3A_342 = vector.shape_cast %reduce_or3A_341 : vector<256xi1> to vector<256x1xi1>
        %lt3A_343 = arith.constant 5.000000e-01 : f32
        %lt3A_344 = vector.broadcast %lt3A_343 : f32 to vector<256x1xf32>
        %lt3A_345 = arith.cmpf olt, %while3A_324, %lt3A_344 : vector<256x1xf32>
        %not3A_346 = arith.constant dense<true> : vector<256x1xi1>
        %not3A_347 = arith.xori %broadcast_in_dim3A_342, %not3A_346 : vector<256x1xi1>
        %and3A_348 = arith.andi %lt3A_345, %not3A_347 : vector<256x1xi1>
        %convert_element_type3A_349 = arith.extui %and3A_348 : vector<256x1xi1> to vector<256x1xi32>
        %convert_element_type3A_350 = arith.sitofp %convert_element_type3A_349 : vector<256x1xi32> to vector<256x1xf32>
        %dot_general3A_351 = arith.constant dense<0.000000e+00> : vector<1x256xf32>
        %dot_general3A_352 = tpu.matmul %convert_element_type3A_350, %convert_element_type3A_4, %dot_general3A_351 {dimension_numbers = #tpu.dot_dimension_numbers<[0], [0], [1], [1], [0, 1, 1, 1], [], []>, transpose_lhs_hint = false} : vector<256x1xf32>, vector<256x256xf32>, vector<1x256xf32> -> vector<1x256xf32>
        %gt3A_353 = arith.constant 5.000000e-01 : f32
        %gt3A_354 = vector.broadcast %gt3A_353 : f32 to vector<1x256xf32>
        %gt3A_355 = arith.cmpf ogt, %dot_general3A_352, %gt3A_354 : vector<1x256xf32>
        %and3A_356 = vector.broadcast %gt3A_355 : vector<1x256xi1> to vector<256x256xi1>
        %and3A_357 = arith.andi %and3A_229, %and3A_356 : vector<256x256xi1>
        %reduce_or3A_358 = arith.constant 1.000000e+00 : f32
        %reduce_or3A_359 = arith.constant 0.000000e+00 : f32
        %reduce_or3A_360 = vector.broadcast %reduce_or3A_358 : f32 to vector<256x256xf32>
        %reduce_or3A_361 = vector.broadcast %reduce_or3A_359 : f32 to vector<256x256xf32>
        %reduce_or3A_362 = arith.select %and3A_357, %reduce_or3A_360, %reduce_or3A_361 : vector<256x256xi1>, vector<256x256xf32>
        %reduce_or3A_363 = arith.constant dense<0xFF800000> : vector<256xf32>
        %reduce_or3A_364 = vector.multi_reduction <maximumf>, %reduce_or3A_362, %reduce_or3A_363 [1] : vector<256x256xf32> to vector<256xf32>
        %reduce_or3A_365 = arith.constant 0.000000e+00 : f32
        %reduce_or3A_366 = vector.broadcast %reduce_or3A_365 : f32 to vector<256xf32>
        %reduce_or3A_367 = arith.cmpf ogt, %reduce_or3A_364, %reduce_or3A_366 : vector<256xf32>
        %broadcast_in_dim3A_368 = vector.shape_cast %reduce_or3A_367 : vector<256xi1> to vector<256x1xi1>
        %convert_element_type3A_369 = arith.extui %broadcast_in_dim3A_368 : vector<256x1xi1> to vector<256x1xi32>
        %convert_element_type3A_370 = arith.sitofp %convert_element_type3A_369 : vector<256x1xi32> to vector<256x1xf32>
        %max3A_371 = arith.maximumf %while3A_324, %convert_element_type3A_370 : vector<256x1xf32>
        %ne3A = arith.cmpf one, %max3A_371, %while3A_324 : vector<256x1xf32>
        %reduce_or3A_372 = arith.constant 1.000000e+00 : f32
        %reduce_or3A_373 = arith.constant 0.000000e+00 : f32
        %reduce_or3A_374 = vector.broadcast %reduce_or3A_372 : f32 to vector<256x1xf32>
        %reduce_or3A_375 = vector.broadcast %reduce_or3A_373 : f32 to vector<256x1xf32>
        %reduce_or3A_376 = arith.select %ne3A, %reduce_or3A_374, %reduce_or3A_375 : vector<256x1xi1>, vector<256x1xf32>
        %reduce_or3A_377 = vector.shape_cast %reduce_or3A_376 : vector<256x1xf32> to vector<1x256x1xf32>
        %reduce_or3A_378 = arith.constant dense<0xFF800000> : vector<1xf32>
        %reduce_or3A_379 = vector.multi_reduction <maximumf>, %reduce_or3A_377, %reduce_or3A_378 [1, 2] : vector<1x256x1xf32> to vector<1xf32>
        %reduce_or3A_380 = vector.shape_cast %reduce_or3A_379 : vector<1xf32> to vector<1x1x1xf32>
        %reduce_or3A_381 = vector.extract %reduce_or3A_380[0, 0, 0] : f32 from vector<1x1x1xf32>
        %reduce_or3A_382 = arith.constant 0.000000e+00 : f32
        %reduce_or3A_383 = arith.cmpf ogt, %reduce_or3A_381, %reduce_or3A_382 : f32
        %dot_general3A_384 = arith.constant dense<0.000000e+00> : vector<1x256xf32>
        %dot_general3A_385 = tpu.matmul %max3A_371, %convert_element_type3A_4, %dot_general3A_384 {dimension_numbers = #tpu.dot_dimension_numbers<[0], [0], [1], [1], [0, 1, 1, 1], [], []>, transpose_lhs_hint = false} : vector<256x1xf32>, vector<256x256xf32>, vector<1x256xf32> -> vector<1x256xf32>
        scf.yield %max3A_371, %dot_general3A_385, %reduce_or3A_383 : vector<256x1xf32>, vector<1x256xf32>, i1
      }
      %lt3A_239 = arith.constant 5.000000e-01 : f32
      %lt3A_240 = vector.broadcast %lt3A_239 : f32 to vector<1x256xf32>
      %lt3A_241 = arith.cmpf olt, %while3A_238#1, %lt3A_240 : vector<1x256xf32>
      %and3A_242 = vector.broadcast %lt3A_241 : vector<1x256xi1> to vector<256x256xi1>
      %and3A_243 = arith.andi %and3A_229, %and3A_242 : vector<256x256xi1>
      %reduce_or3A_244 = arith.constant 1.000000e+00 : f32
      %reduce_or3A_245 = arith.constant 0.000000e+00 : f32
      %reduce_or3A_246 = vector.broadcast %reduce_or3A_244 : f32 to vector<256x256xf32>
      %reduce_or3A_247 = vector.broadcast %reduce_or3A_245 : f32 to vector<256x256xf32>
      %reduce_or3A_248 = arith.select %and3A_243, %reduce_or3A_246, %reduce_or3A_247 : vector<256x256xi1>, vector<256x256xf32>
      %reduce_or3A_249 = arith.constant dense<0xFF800000> : vector<256xf32>
      %reduce_or3A_250 = vector.multi_reduction <maximumf>, %reduce_or3A_248, %reduce_or3A_249 [1] : vector<256x256xf32> to vector<256xf32>
      %reduce_or3A_251 = arith.constant 0.000000e+00 : f32
      %reduce_or3A_252 = vector.broadcast %reduce_or3A_251 : f32 to vector<256xf32>
      %reduce_or3A_253 = arith.cmpf ogt, %reduce_or3A_250, %reduce_or3A_252 : vector<256xf32>
      %broadcast_in_dim3A_254 = vector.shape_cast %reduce_or3A_253 : vector<256xi1> to vector<256x1xi1>
      %lt3A_255 = arith.constant 5.000000e-01 : f32
      %lt3A_256 = vector.broadcast %lt3A_255 : f32 to vector<256x1xf32>
      %lt3A_257 = arith.cmpf olt, %while3A_238#0, %lt3A_256 : vector<256x1xf32>
      %not3A_258 = arith.constant dense<true> : vector<256x1xi1>
      %not3A_259 = arith.xori %broadcast_in_dim3A_254, %not3A_258 : vector<256x1xi1>
      %and3A_260 = arith.andi %lt3A_257, %not3A_259 : vector<256x1xi1>
      %convert_element_type3A_261 = arith.extui %and3A_260 : vector<256x1xi1> to vector<256x1xi32>
      %convert_element_type3A_262 = arith.sitofp %convert_element_type3A_261 : vector<256x1xi32> to vector<256x1xf32>
      %dot_general3A_263 = arith.constant dense<0.000000e+00> : vector<1x256xf32>
      %dot_general3A_264 = tpu.matmul %convert_element_type3A_262, %convert_element_type3A_4, %dot_general3A_263 {dimension_numbers = #tpu.dot_dimension_numbers<[0], [0], [1], [1], [0, 1, 1, 1], [], []>, transpose_lhs_hint = false} : vector<256x1xf32>, vector<256x256xf32>, vector<1x256xf32> -> vector<1x256xf32>
      %dot_general3A_265 = arith.constant dense<0.000000e+00> : vector<1x256xf32>
      %dot_general3A_266 = tpu.matmul %dot_general3A_264, %convert_element_type3A_6, %dot_general3A_265 {dimension_numbers = #tpu.dot_dimension_numbers<[1], [0], [0], [1], [0, 0, 1, 1], [], []>, transpose_lhs_hint = false} : vector<1x256xf32>, vector<256x256xf32>, vector<1x256xf32> -> vector<1x256xf32>
      %sub3A_267 = arith.constant 1.000000e+00 : f32
      %sub3A_268 = vector.broadcast %sub3A_267 : f32 to vector<1x256xf32>
      %sub3A_269 = arith.subf %dot_general3A_266, %sub3A_268 : vector<1x256xf32>
      %convert_element_type3A_270 = arith.sitofp %while3A_103 : i32 to f32
      %add3A_271 = vector.broadcast %convert_element_type3A_270 : f32 to vector<1x256xf32>
      %add3A_272 = arith.addf %sub3A_269, %add3A_271 : vector<1x256xf32>
      %dot_general3A_273 = arith.constant dense<0.000000e+00> : vector<256x1xf32>
      %dot_general3A_274 = tpu.matmul %add3A_272, %broadcast_in_dim3A_2, %dot_general3A_273 {dimension_numbers = #tpu.dot_dimension_numbers<[0], [0], [1], [1], [0, 1, 1, 1], [], []>, transpose_lhs_hint = false} : vector<1x256xf32>, vector<1x1xf32>, vector<256x1xf32> -> vector<256x1xf32>
      %round3A = math.roundeven %dot_general3A_274 : vector<256x1xf32>
      %convert_element_type3A_275 = arith.fptosi %round3A : vector<256x1xf32> to vector<256x1xi32>
      %eq3A_276 = vector.broadcast %convert_element_type3A_275 : vector<256x1xi32> to vector<256x256xi32>
      %eq3A_277 = arith.cmpi eq, %iota3A_3, %eq3A_276 : vector<256x256xi32>
      %dot_general3A_278 = arith.constant dense<0.000000e+00> : vector<256x1xf32>
      %dot_general3A_279 = tpu.matmul %dot_general3A_264, %broadcast_in_dim3A_2, %dot_general3A_278 {dimension_numbers = #tpu.dot_dimension_numbers<[0], [0], [1], [1], [0, 1, 1, 1], [], []>, transpose_lhs_hint = false} : vector<1x256xf32>, vector<1x1xf32>, vector<256x1xf32> -> vector<256x1xf32>
      %gt3A_280 = arith.constant 5.000000e-01 : f32
      %gt3A_281 = vector.broadcast %gt3A_280 : f32 to vector<256x1xf32>
      %gt3A_282 = arith.cmpf ogt, %dot_general3A_279, %gt3A_281 : vector<256x1xf32>
      %and3A_283 = vector.broadcast %gt3A_282 : vector<256x1xi1> to vector<256x256xi1>
      %and3A_284 = arith.andi %eq3A_277, %and3A_283 : vector<256x256xi1>
      %convert_element_type3A_285 = arith.extui %and3A_284 : vector<256x256xi1> to vector<256x256xi32>
      %convert_element_type3A_286 = arith.sitofp %convert_element_type3A_285 : vector<256x256xi32> to vector<256x256xf32>
      %dot_general3A_287 = arith.constant dense<0.000000e+00> : vector<1x256xf32>
      %dot_general3A_288 = tpu.matmul %reshape3A_119, %convert_element_type3A_286, %dot_general3A_287 {dimension_numbers = #tpu.dot_dimension_numbers<[1], [0], [0], [1], [0, 0, 1, 1], [], []>, transpose_lhs_hint = false} : vector<1x256xf32>, vector<256x256xf32>, vector<1x256xf32> -> vector<1x256xf32>
      %add3A_289 = arith.addf %while3A_106, %dot_general3A_288 : vector<1x256xf32>
      %dot_general3A_290 = arith.constant dense<0.000000e+00> : vector<1x256xf32>
      %dot_general3A_291 = tpu.matmul %reshape3A_124, %convert_element_type3A_286, %dot_general3A_290 {dimension_numbers = #tpu.dot_dimension_numbers<[1], [0], [0], [1], [0, 0, 1, 1], [], []>, transpose_lhs_hint = false} : vector<1x256xf32>, vector<256x256xf32>, vector<1x256xf32> -> vector<1x256xf32>
      %add3A_292 = arith.addf %while3A_107, %dot_general3A_291 : vector<1x256xf32>
      %dot_general3A_293 = arith.constant dense<0.000000e+00> : vector<1x256xf32>
      %dot_general3A_294 = tpu.matmul %reshape3A_129, %convert_element_type3A_286, %dot_general3A_293 {dimension_numbers = #tpu.dot_dimension_numbers<[1], [0], [0], [1], [0, 0, 1, 1], [], []>, transpose_lhs_hint = false} : vector<1x256xf32>, vector<256x256xf32>, vector<1x256xf32> -> vector<1x256xf32>
      %add3A_295 = arith.addf %while3A_108, %dot_general3A_294 : vector<1x256xf32>
      %dot_general3A_296 = arith.constant dense<0.000000e+00> : vector<1x256xf32>
      %dot_general3A_297 = tpu.matmul %reshape3A_134, %convert_element_type3A_286, %dot_general3A_296 {dimension_numbers = #tpu.dot_dimension_numbers<[1], [0], [0], [1], [0, 0, 1, 1], [], []>, transpose_lhs_hint = false} : vector<1x256xf32>, vector<256x256xf32>, vector<1x256xf32> -> vector<1x256xf32>
      %add3A_298 = arith.addf %while3A_109, %dot_general3A_297 : vector<1x256xf32>
      %dot_general3A_299 = arith.constant dense<0.000000e+00> : vector<1x256xf32>
      %dot_general3A_300 = tpu.matmul %reshape3A, %convert_element_type3A_286, %dot_general3A_299 {dimension_numbers = #tpu.dot_dimension_numbers<[1], [0], [0], [1], [0, 0, 1, 1], [], []>, transpose_lhs_hint = false} : vector<1x256xf32>, vector<256x256xf32>, vector<1x256xf32> -> vector<1x256xf32>
      %add3A_301 = arith.addf %while3A_110, %dot_general3A_300 : vector<1x256xf32>
      %reduce_sum3A = vector.shape_cast %dot_general3A_264 : vector<1x256xf32> to vector<1x1x256xf32>
      %reduce_sum3A_302 = arith.constant dense<0.000000e+00> : vector<1xf32>
      %reduce_sum3A_303 = vector.multi_reduction <add>, %reduce_sum3A, %reduce_sum3A_302 [1, 2] : vector<1x1x256xf32> to vector<1xf32>
      %reduce_sum3A_304 = vector.shape_cast %reduce_sum3A_303 : vector<1xf32> to vector<1x1x1xf32>
      %reduce_sum3A_305 = vector.extract %reduce_sum3A_304[0, 0, 0] : f32 from vector<1x1x1xf32>
      %convert_element_type3A_306 = arith.fptosi %reduce_sum3A_305 : f32 to i32
      %add3A_307 = arith.addi %while3A_103, %convert_element_type3A_306 : i32
      %add3A_308 = arith.constant 1 : i32
      %add3A_309 = arith.addi %while3A_102, %add3A_308 : i32
      %min3A_310 = arith.constant 1 : i32
      %min3A_311 = arith.minsi %add3A_309, %min3A_310 : i32
      %get3A_312 = arith.index_cast %min3A_311 : i32 to index
      %get3A_313 = arith.constant 0 : index
      %get3A_314 = arith.constant 0 : index
      %get3A_315 = vector.load %arg0[%get3A_312, %get3A_313, %get3A_314] : memref<2x1x256xf32, #tpu.memory_space<vmem>>, vector<1x1x1xf32>
      %squeeze3A = vector.extract %get3A_315[0, 0, 0] : f32 from vector<1x1x1xf32>
      %lt3A_316 = arith.constant 2 : i32
      %lt3A_317 = arith.cmpi slt, %add3A_309, %lt3A_316 : i32
      %le3A_318 = arith.constant 1.000000e-01 : f32
      %le3A_319 = arith.cmpf ole, %squeeze3A, %le3A_318 : f32
      %and3A_320 = arith.andi %lt3A_317, %le3A_319 : i1
      %gt3A_321 = arith.constant 1.000000e-01 : f32
      %gt3A_322 = arith.cmpf ogt, %squeeze3A, %gt3A_321 : f32
      %and3A_323 = arith.andi %lt3A_317, %gt3A_322 : i1
      scf.yield %add3A_309, %add3A_307, %and3A_323, %and3A_320, %add3A_289, %add3A_292, %add3A_295, %add3A_298, %add3A_301 : i32, i32, i1, i1, vector<1x256xf32>, vector<1x256xf32>, vector<1x256xf32>, vector<1x256xf32>, vector<1x256xf32>
    }
    %eq3A_18 = arith.constant 0 : i32
    %eq3A_19 = vector.broadcast %eq3A_18 : i32 to vector<1x128xi32>
    %eq3A_20 = arith.cmpi eq, %iota3A_7, %eq3A_19 : vector<1x128xi32>
    %dot_general3A = arith.constant dense<0.000000e+00> : vector<256x1xf32>
    %dot_general3A_21 = tpu.matmul %while3A_17#4, %broadcast_in_dim3A_2, %dot_general3A {dimension_numbers = #tpu.dot_dimension_numbers<[0], [0], [1], [1], [0, 1, 1, 1], [], []>, transpose_lhs_hint = false} : vector<1x256xf32>, vector<1x1xf32>, vector<256x1xf32> -> vector<256x1xf32>
    %jit3A = arith.constant 0.000000e+00 : f32
    %broadcast_in_dim3A_22 = vector.shape_cast %eq3A_20 : vector<1x128xi1> to vector<1x128xi1>
    %broadcast_in_dim3A_23 = vector.broadcast %broadcast_in_dim3A_22 : vector<1x128xi1> to vector<256x128xi1>
    %broadcast_in_dim3A_24 = vector.shape_cast %dot_general3A_21 : vector<256x1xf32> to vector<256x1xf32>
    %broadcast_in_dim3A_25 = vector.broadcast %broadcast_in_dim3A_24 : vector<256x1xf32> to vector<256x128xf32>
    %broadcast_in_dim3A_26 = vector.broadcast %jit3A : f32 to vector<256x128xf32>
    %select_n3A = arith.select %broadcast_in_dim3A_23, %broadcast_in_dim3A_25, %broadcast_in_dim3A_26 : vector<256x128xi1>, vector<256x128xf32>
    %eq3A_27 = arith.constant 1 : i32
    %eq3A_28 = vector.broadcast %eq3A_27 : i32 to vector<1x128xi32>
    %eq3A_29 = arith.cmpi eq, %iota3A_7, %eq3A_28 : vector<1x128xi32>
    %dot_general3A_30 = arith.constant dense<0.000000e+00> : vector<256x1xf32>
    %dot_general3A_31 = tpu.matmul %while3A_17#5, %broadcast_in_dim3A_2, %dot_general3A_30 {dimension_numbers = #tpu.dot_dimension_numbers<[0], [0], [1], [1], [0, 1, 1, 1], [], []>, transpose_lhs_hint = false} : vector<1x256xf32>, vector<1x1xf32>, vector<256x1xf32> -> vector<256x1xf32>
    %jit3A_32 = arith.constant 0.000000e+00 : f32
    %broadcast_in_dim3A_33 = vector.shape_cast %eq3A_29 : vector<1x128xi1> to vector<1x128xi1>
    %broadcast_in_dim3A_34 = vector.broadcast %broadcast_in_dim3A_33 : vector<1x128xi1> to vector<256x128xi1>
    %broadcast_in_dim3A_35 = vector.shape_cast %dot_general3A_31 : vector<256x1xf32> to vector<256x1xf32>
    %broadcast_in_dim3A_36 = vector.broadcast %broadcast_in_dim3A_35 : vector<256x1xf32> to vector<256x128xf32>
    %broadcast_in_dim3A_37 = vector.broadcast %jit3A_32 : f32 to vector<256x128xf32>
    %select_n3A_38 = arith.select %broadcast_in_dim3A_34, %broadcast_in_dim3A_36, %broadcast_in_dim3A_37 : vector<256x128xi1>, vector<256x128xf32>
    %add3A = arith.addf %select_n3A, %select_n3A_38 : vector<256x128xf32>
    %eq3A_39 = arith.constant 2 : i32
    %eq3A_40 = vector.broadcast %eq3A_39 : i32 to vector<1x128xi32>
    %eq3A_41 = arith.cmpi eq, %iota3A_7, %eq3A_40 : vector<1x128xi32>
    %dot_general3A_42 = arith.constant dense<0.000000e+00> : vector<256x1xf32>
    %dot_general3A_43 = tpu.matmul %while3A_17#6, %broadcast_in_dim3A_2, %dot_general3A_42 {dimension_numbers = #tpu.dot_dimension_numbers<[0], [0], [1], [1], [0, 1, 1, 1], [], []>, transpose_lhs_hint = false} : vector<1x256xf32>, vector<1x1xf32>, vector<256x1xf32> -> vector<256x1xf32>
    %jit3A_44 = arith.constant 0.000000e+00 : f32
    %broadcast_in_dim3A_45 = vector.shape_cast %eq3A_41 : vector<1x128xi1> to vector<1x128xi1>
    %broadcast_in_dim3A_46 = vector.broadcast %broadcast_in_dim3A_45 : vector<1x128xi1> to vector<256x128xi1>
    %broadcast_in_dim3A_47 = vector.shape_cast %dot_general3A_43 : vector<256x1xf32> to vector<256x1xf32>
    %broadcast_in_dim3A_48 = vector.broadcast %broadcast_in_dim3A_47 : vector<256x1xf32> to vector<256x128xf32>
    %broadcast_in_dim3A_49 = vector.broadcast %jit3A_44 : f32 to vector<256x128xf32>
    %select_n3A_50 = arith.select %broadcast_in_dim3A_46, %broadcast_in_dim3A_48, %broadcast_in_dim3A_49 : vector<256x128xi1>, vector<256x128xf32>
    %add3A_51 = arith.addf %add3A, %select_n3A_50 : vector<256x128xf32>
    %eq3A_52 = arith.constant 3 : i32
    %eq3A_53 = vector.broadcast %eq3A_52 : i32 to vector<1x128xi32>
    %eq3A_54 = arith.cmpi eq, %iota3A_7, %eq3A_53 : vector<1x128xi32>
    %dot_general3A_55 = arith.constant dense<0.000000e+00> : vector<256x1xf32>
    %dot_general3A_56 = tpu.matmul %while3A_17#7, %broadcast_in_dim3A_2, %dot_general3A_55 {dimension_numbers = #tpu.dot_dimension_numbers<[0], [0], [1], [1], [0, 1, 1, 1], [], []>, transpose_lhs_hint = false} : vector<1x256xf32>, vector<1x1xf32>, vector<256x1xf32> -> vector<256x1xf32>
    %jit3A_57 = arith.constant 0.000000e+00 : f32
    %broadcast_in_dim3A_58 = vector.shape_cast %eq3A_54 : vector<1x128xi1> to vector<1x128xi1>
    %broadcast_in_dim3A_59 = vector.broadcast %broadcast_in_dim3A_58 : vector<1x128xi1> to vector<256x128xi1>
    %broadcast_in_dim3A_60 = vector.shape_cast %dot_general3A_56 : vector<256x1xf32> to vector<256x1xf32>
    %broadcast_in_dim3A_61 = vector.broadcast %broadcast_in_dim3A_60 : vector<256x1xf32> to vector<256x128xf32>
    %broadcast_in_dim3A_62 = vector.broadcast %jit3A_57 : f32 to vector<256x128xf32>
    %select_n3A_63 = arith.select %broadcast_in_dim3A_59, %broadcast_in_dim3A_61, %broadcast_in_dim3A_62 : vector<256x128xi1>, vector<256x128xf32>
    %add3A_64 = arith.addf %add3A_51, %select_n3A_63 : vector<256x128xf32>
    %eq3A_65 = arith.constant 4 : i32
    %eq3A_66 = vector.broadcast %eq3A_65 : i32 to vector<1x128xi32>
    %eq3A_67 = arith.cmpi eq, %iota3A_7, %eq3A_66 : vector<1x128xi32>
    %dot_general3A_68 = arith.constant dense<0.000000e+00> : vector<256x1xf32>
    %dot_general3A_69 = tpu.matmul %while3A_17#8, %broadcast_in_dim3A_2, %dot_general3A_68 {dimension_numbers = #tpu.dot_dimension_numbers<[0], [0], [1], [1], [0, 1, 1, 1], [], []>, transpose_lhs_hint = false} : vector<1x256xf32>, vector<1x1xf32>, vector<256x1xf32> -> vector<256x1xf32>
    %jit3A_70 = arith.constant 0.000000e+00 : f32
    %broadcast_in_dim3A_71 = vector.shape_cast %eq3A_67 : vector<1x128xi1> to vector<1x128xi1>
    %broadcast_in_dim3A_72 = vector.broadcast %broadcast_in_dim3A_71 : vector<1x128xi1> to vector<256x128xi1>
    %broadcast_in_dim3A_73 = vector.shape_cast %dot_general3A_69 : vector<256x1xf32> to vector<256x1xf32>
    %broadcast_in_dim3A_74 = vector.broadcast %broadcast_in_dim3A_73 : vector<256x1xf32> to vector<256x128xf32>
    %broadcast_in_dim3A_75 = vector.broadcast %jit3A_70 : f32 to vector<256x128xf32>
    %select_n3A_76 = arith.select %broadcast_in_dim3A_72, %broadcast_in_dim3A_74, %broadcast_in_dim3A_75 : vector<256x128xi1>, vector<256x128xf32>
    %add3A_77 = arith.addf %add3A_64, %select_n3A_76 : vector<256x128xf32>
    %swap3A = arith.constant 0 : index
    %swap3A_78 = arith.constant 0 : index
    %swap3A_79 = vector.load %arg5[%swap3A, %swap3A_78] : memref<256x128xf32, #tpu.memory_space<vmem>>, vector<256x128xf32>
    tpu.vector_store %arg5[%swap3A, %swap3A_78], %add3A_77 {strides = array<i32>} : memref<256x128xf32, #tpu.memory_space<vmem>>, vector<256x128xf32>,
    %ge3A = arith.constant 256 : i32
    %ge3A_80 = arith.cmpi sge, %while3A_17#1, %ge3A : i32
    %or3A = arith.ori %ge3A_80, %while3A_17#3 : i1
    %eq3A_81 = arith.constant 0 : i32
    %eq3A_82 = vector.broadcast %eq3A_81 : i32 to vector<1x128xi32>
    %eq3A_83 = arith.cmpi eq, %iota3A_7, %eq3A_82 : vector<1x128xi32>
    %convert_element_type3A_84 = arith.sitofp %while3A_17#1 : i32 to f32
    %jit3A_85 = arith.constant 0.000000e+00 : f32
    %broadcast_in_dim3A_86 = vector.broadcast %convert_element_type3A_84 : f32 to vector<1x128xf32>
    %broadcast_in_dim3A_87 = vector.broadcast %jit3A_85 : f32 to vector<1x128xf32>
    %select_n3A_88 = arith.select %eq3A_83, %broadcast_in_dim3A_86, %broadcast_in_dim3A_87 : vector<1x128xi1>, vector<1x128xf32>
    %eq3A_89 = arith.constant 1 : i32
    %eq3A_90 = vector.broadcast %eq3A_89 : i32 to vector<1x128xi32>
    %eq3A_91 = arith.cmpi eq, %iota3A_7, %eq3A_90 : vector<1x128xi32>
    %convert_element_type3A_92 = arith.extui %or3A : i1 to i32
    %convert_element_type3A_93 = arith.sitofp %convert_element_type3A_92 : i32 to f32
    %jit3A_94 = arith.constant 0.000000e+00 : f32
    %broadcast_in_dim3A_95 = vector.broadcast %convert_element_type3A_93 : f32 to vector<1x128xf32>
    %broadcast_in_dim3A_96 = vector.broadcast %jit3A_94 : f32 to vector<1x128xf32>
    %select_n3A_97 = arith.select %eq3A_91, %broadcast_in_dim3A_95, %broadcast_in_dim3A_96 : vector<1x128xi1>, vector<1x128xf32>
    %add3A_98 = arith.addf %select_n3A_88, %select_n3A_97 : vector<1x128xf32>
    %swap3A_99 = arith.constant 0 : index
    %swap3A_100 = arith.constant 0 : index
    %swap3A_101 = vector.load %arg6[%swap3A_99, %swap3A_100] : memref<1x128xf32, #tpu.memory_space<vmem>>, vector<1x128xf32>
    tpu.vector_store %arg6[%swap3A_99, %swap3A_100], %add3A_98 {strides = array<i32>} : memref<1x128xf32, #tpu.memory_space<vmem>>, vector<1x128xf32>,
    return
  }
}

module attributes {stable_mosaic.version = 14 : i64} {
  func.func @_nms_body(%arg0: memref<80x1x256xf32, #tpu.memory_space<vmem>>, %arg1: memref<80x1x256xf32, #tpu.memory_space<vmem>>, %arg2: memref<80x1x256xf32, #tpu.memory_space<vmem>>, %arg3: memref<80x1x256xf32, #tpu.memory_space<vmem>>, %arg4: memref<80x1x256xf32, #tpu.memory_space<vmem>>, %arg5: memref<256x128xf32, #tpu.memory_space<vmem>>, %arg6: memref<1x128xf32, #tpu.memory_space<vmem>>) attributes {dimension_semantics = [], scalar_prefetch = 0 : i64, scratch_operands = 0 : i64, tpu.core_type = #tpu.core_type<tc>} {
    %broadcast_in_dim3A = arith.constant 1.000000e+00 : f32
    %broadcast_in_dim3A_0 = vector.broadcast %broadcast_in_dim3A : f32 to vector<1x256xf32>
    %broadcast_in_dim3A_1 = arith.constant 1.000000e+00 : f32
    %broadcast_in_dim3A_2 = vector.broadcast %broadcast_in_dim3A_1 : f32 to vector<1x1xf32>
    %iota3A = tpu.iota {dimensions = array<i32: 0>} : vector<256x256xi32>
    %iota3A_3 = tpu.iota {dimensions = array<i32: 1>} : vector<256x256xi32>
    %eq3A = arith.cmpi eq, %iota3A, %iota3A_3 : vector<256x256xi32>
    %convert_element_type3A = arith.extui %eq3A : vector<256x256xi1> to vector<256x256xi32>
    %convert_element_type3A_4 = arith.sitofp %convert_element_type3A : vector<256x256xi32> to vector<256x256xf32>
    %le3A = arith.cmpi sle, %iota3A, %iota3A_3 : vector<256x256xi32>
    %convert_element_type3A_5 = arith.extui %le3A : vector<256x256xi1> to vector<256x256xi32>
    %convert_element_type3A_6 = arith.sitofp %convert_element_type3A_5 : vector<256x256xi32> to vector<256x256xf32>
    %iota3A_7 = tpu.iota {dimensions = array<i32: 1>} : vector<1x128xi32>
    %broadcast_in_dim3A_8 = arith.constant 0.000000e+00 : f32
    %broadcast_in_dim3A_9 = vector.broadcast %broadcast_in_dim3A_8 : f32 to vector<1x256xf32>
    %get3A = arith.constant 0 : index
    %get3A_10 = arith.constant 0 : index
    %get3A_11 = arith.constant 0 : index
    %get3A_12 = vector.load %arg0[%get3A, %get3A_10, %get3A_11] : memref<80x1x256xf32, #tpu.memory_space<vmem>>, vector<1x1x1xf32>
    %get3A_13 = vector.extract %get3A_12[0, 0, 0] : f32 from vector<1x1x1xf32>
    %gt3A = arith.constant 1.000000e-01 : f32
    %gt3A_14 = arith.cmpf ogt, %get3A_13, %gt3A : f32
    %not3A = arith.constant true
    %not3A_15 = arith.xori %gt3A_14, %not3A : i1
    %while3A = arith.constant 0 : i32
    %while3A_16 = arith.constant 0 : i32
    %while3A_17:9 = scf.while (%while3A_102 = %while3A, %while3A_103 = %while3A_16, %while3A_104 = %gt3A_14, %while3A_105 = %not3A_15, %while3A_106 = %broadcast_in_dim3A_9, %while3A_107 = %broadcast_in_dim3A_9, %while3A_108 = %broadcast_in_dim3A_9, %while3A_109 = %broadcast_in_dim3A_9, %while3A_110 = %broadcast_in_dim3A_9) : (i32, i32, i1, i1, vector<1x256xf32>, vector<1x256xf32>, vector<1x256xf32>, vector<1x256xf32>, vector<1x256xf32>) -> (i32, i32, i1, i1, vector<1x256xf32>, vector<1x256xf32>, vector<1x256xf32>, vector<1x256xf32>, vector<1x256xf32>) {
      %lt3A = arith.constant 256 : i32
      %lt3A_111 = arith.cmpi slt, %while3A_103, %lt3A : i32
      %and3A = arith.andi %lt3A_111, %while3A_104 : i1
      scf.condition(%and3A) %while3A_102, %while3A_103, %while3A_104, %while3A_105, %while3A_106, %while3A_107, %while3A_108, %while3A_109, %while3A_110 : i32, i32, i1, i1, vector<1x256xf32>, vector<1x256xf32>, vector<1x256xf32>, vector<1x256xf32>, vector<1x256xf32>
    } do {
    ^bb0(%while3A_102: i32, %while3A_103: i32, %while3A_104: i1, %while3A_105: i1, %while3A_106: vector<1x256xf32>, %while3A_107: vector<1x256xf32>, %while3A_108: vector<1x256xf32>, %while3A_109: vector<1x256xf32>, %while3A_110: vector<1x256xf32>):
      %get3A_111 = arith.index_cast %while3A_102 : i32 to index
      %get3A_112 = arith.constant 0 : index
      %get3A_113 = arith.constant 0 : index
      %get3A_114 = vector.load %arg0[%get3A_111, %get3A_112, %get3A_113] : memref<80x1x256xf32, #tpu.memory_space<vmem>>, vector<1x1x256xf32>
      %reshape3A = vector.shape_cast %get3A_114 : vector<1x1x256xf32> to vector<1x256xf32>
      %get3A_115 = arith.index_cast %while3A_102 : i32 to index
      %get3A_116 = arith.constant 0 : index
      %get3A_117 = arith.constant 0 : index
      %get3A_118 = vector.load %arg1[%get3A_115, %get3A_116, %get3A_117] : memref<80x1x256xf32, #tpu.memory_space<vmem>>, vector<1x1x256xf32>
      %reshape3A_119 = vector.shape_cast %get3A_118 : vector<1x1x256xf32> to vector<1x256xf32>
      %get3A_120 = arith.index_cast %while3A_102 : i32 to index
      %get3A_121 = arith.constant 0 : index
      %get3A_122 = arith.constant 0 : index
      %get3A_123 = vector.load %arg2[%get3A_120, %get3A_121, %get3A_122] : memref<80x1x256xf32, #tpu.memory_space<vmem>>, vector<1x1x256xf32>
      %reshape3A_124 = vector.shape_cast %get3A_123 : vector<1x1x256xf32> to vector<1x256xf32>
      %get3A_125 = arith.index_cast %while3A_102 : i32 to index
      %get3A_126 = arith.constant 0 : index
      %get3A_127 = arith.constant 0 : index
      %get3A_128 = vector.load %arg3[%get3A_125, %get3A_126, %get3A_127] : memref<80x1x256xf32, #tpu.memory_space<vmem>>, vector<1x1x256xf32>
      %reshape3A_129 = vector.shape_cast %get3A_128 : vector<1x1x256xf32> to vector<1x256xf32>
      %get3A_130 = arith.index_cast %while3A_102 : i32 to index
      %get3A_131 = arith.constant 0 : index
      %get3A_132 = arith.constant 0 : index
      %get3A_133 = vector.load %arg4[%get3A_130, %get3A_131, %get3A_132] : memref<80x1x256xf32, #tpu.memory_space<vmem>>, vector<1x1x256xf32>
      %reshape3A_134 = vector.shape_cast %get3A_133 : vector<1x1x256xf32> to vector<1x256xf32>
      %sub3A = arith.subf %reshape3A_129, %reshape3A_119 : vector<1x256xf32>
      %max3A = arith.constant 0.000000e+00 : f32
      %max3A_135 = vector.broadcast %max3A : f32 to vector<1x256xf32>
      %max3A_136 = arith.maximumf %sub3A, %max3A_135 : vector<1x256xf32>
      %sub3A_137 = arith.subf %reshape3A_134, %reshape3A_124 : vector<1x256xf32>
      %max3A_138 = arith.constant 0.000000e+00 : f32
      %max3A_139 = vector.broadcast %max3A_138 : f32 to vector<1x256xf32>
      %max3A_140 = arith.maximumf %sub3A_137, %max3A_139 : vector<1x256xf32>
      %mul3A = arith.mulf %max3A_136, %max3A_140 : vector<1x256xf32>
      %dot_general3A_141 = arith.constant dense<0.000000e+00> : vector<256x256xf32>
      %dot_general3A_142 = tpu.matmul %reshape3A_119, %broadcast_in_dim3A_0, %dot_general3A_141 {dimension_numbers = #tpu.dot_dimension_numbers<[0], [0], [1], [1], [0, 1, 1, 1], [], []>, transpose_lhs_hint = false} : vector<1x256xf32>, vector<1x256xf32>, vector<256x256xf32> -> vector<256x256xf32>
      %dot_general3A_143 = arith.constant dense<0.000000e+00> : vector<256x256xf32>
      %dot_general3A_144 = tpu.matmul %reshape3A_124, %broadcast_in_dim3A_0, %dot_general3A_143 {dimension_numbers = #tpu.dot_dimension_numbers<[0], [0], [1], [1], [0, 1, 1, 1], [], []>, transpose_lhs_hint = false} : vector<1x256xf32>, vector<1x256xf32>, vector<256x256xf32> -> vector<256x256xf32>
      %dot_general3A_145 = arith.constant dense<0.000000e+00> : vector<256x256xf32>
      %dot_general3A_146 = tpu.matmul %reshape3A_129, %broadcast_in_dim3A_0, %dot_general3A_145 {dimension_numbers = #tpu.dot_dimension_numbers<[0], [0], [1], [1], [0, 1, 1, 1], [], []>, transpose_lhs_hint = false} : vector<1x256xf32>, vector<1x256xf32>, vector<256x256xf32> -> vector<256x256xf32>
      %dot_general3A_147 = arith.constant dense<0.000000e+00> : vector<256x256xf32>
      %dot_general3A_148 = tpu.matmul %reshape3A_134, %broadcast_in_dim3A_0, %dot_general3A_147 {dimension_numbers = #tpu.dot_dimension_numbers<[0], [0], [1], [1], [0, 1, 1, 1], [], []>, transpose_lhs_hint = false} : vector<1x256xf32>, vector<1x256xf32>, vector<256x256xf32> -> vector<256x256xf32>
      %dot_general3A_149 = arith.constant dense<0.000000e+00> : vector<256x256xf32>
      %dot_general3A_150 = tpu.matmul %mul3A, %broadcast_in_dim3A_0, %dot_general3A_149 {dimension_numbers = #tpu.dot_dimension_numbers<[0], [0], [1], [1], [0, 1, 1, 1], [], []>, transpose_lhs_hint = false} : vector<1x256xf32>, vector<1x256xf32>, vector<256x256xf32> -> vector<256x256xf32>
      %sub3A_151 = arith.subf %while3A_108, %while3A_106 : vector<1x256xf32>
      %max3A_152 = arith.constant 0.000000e+00 : f32
      %max3A_153 = vector.broadcast %max3A_152 : f32 to vector<1x256xf32>
      %max3A_154 = arith.maximumf %sub3A_151, %max3A_153 : vector<1x256xf32>
      %sub3A_155 = arith.subf %while3A_109, %while3A_107 : vector<1x256xf32>
      %max3A_156 = arith.constant 0.000000e+00 : f32
      %max3A_157 = vector.broadcast %max3A_156 : f32 to vector<1x256xf32>
      %max3A_158 = arith.maximumf %sub3A_155, %max3A_157 : vector<1x256xf32>
      %mul3A_159 = arith.mulf %max3A_154, %max3A_158 : vector<1x256xf32>
      %min3A = vector.broadcast %while3A_108 : vector<1x256xf32> to vector<256x256xf32>
      %min3A_160 = arith.minimumf %dot_general3A_146, %min3A : vector<256x256xf32>
      %max3A_161 = vector.broadcast %while3A_106 : vector<1x256xf32> to vector<256x256xf32>
      %max3A_162 = arith.maximumf %dot_general3A_142, %max3A_161 : vector<256x256xf32>
      %sub3A_163 = arith.subf %min3A_160, %max3A_162 : vector<256x256xf32>
      %max3A_164 = arith.constant 0.000000e+00 : f32
      %max3A_165 = vector.broadcast %max3A_164 : f32 to vector<256x256xf32>
      %max3A_166 = arith.maximumf %sub3A_163, %max3A_165 : vector<256x256xf32>
      %min3A_167 = vector.broadcast %while3A_109 : vector<1x256xf32> to vector<256x256xf32>
      %min3A_168 = arith.minimumf %dot_general3A_148, %min3A_167 : vector<256x256xf32>
      %max3A_169 = vector.broadcast %while3A_107 : vector<1x256xf32> to vector<256x256xf32>
      %max3A_170 = arith.maximumf %dot_general3A_144, %max3A_169 : vector<256x256xf32>
      %sub3A_171 = arith.subf %min3A_168, %max3A_170 : vector<256x256xf32>
      %max3A_172 = arith.constant 0.000000e+00 : f32
      %max3A_173 = vector.broadcast %max3A_172 : f32 to vector<256x256xf32>
      %max3A_174 = arith.maximumf %sub3A_171, %max3A_173 : vector<256x256xf32>
      %mul3A_175 = arith.mulf %max3A_166, %max3A_174 : vector<256x256xf32>
      %add3A_176 = vector.broadcast %mul3A_159 : vector<1x256xf32> to vector<256x256xf32>
      %add3A_177 = arith.addf %add3A_176, %dot_general3A_150 : vector<256x256xf32>
      %sub3A_178 = arith.subf %add3A_177, %mul3A_175 : vector<256x256xf32>
      %add3A_179 = arith.constant 9.99999997E-7 : f32
      %add3A_180 = vector.broadcast %add3A_179 : f32 to vector<256x256xf32>
      %add3A_181 = arith.addf %sub3A_178, %add3A_180 : vector<256x256xf32>
      %div3A = arith.divf %mul3A_175, %add3A_181 : vector<256x256xf32>
      %gt3A_182 = arith.constant 5.000000e-01 : f32
      %gt3A_183 = vector.broadcast %gt3A_182 : f32 to vector<256x256xf32>
      %gt3A_184 = arith.cmpf ogt, %div3A, %gt3A_183 : vector<256x256xf32>
      %reduce_or3A = arith.constant 1.000000e+00 : f32
      %reduce_or3A_185 = arith.constant 0.000000e+00 : f32
      %reduce_or3A_186 = vector.broadcast %reduce_or3A : f32 to vector<256x256xf32>
      %reduce_or3A_187 = vector.broadcast %reduce_or3A_185 : f32 to vector<256x256xf32>
      %reduce_or3A_188 = arith.select %gt3A_184, %reduce_or3A_186, %reduce_or3A_187 : vector<256x256xi1>, vector<256x256xf32>
      %reduce_or3A_189 = arith.constant dense<0xFF800000> : vector<256xf32>
      %reduce_or3A_190 = vector.multi_reduction <maximumf>, %reduce_or3A_188, %reduce_or3A_189 [1] : vector<256x256xf32> to vector<256xf32>
      %reduce_or3A_191 = arith.constant 0.000000e+00 : f32
      %reduce_or3A_192 = vector.broadcast %reduce_or3A_191 : f32 to vector<256xf32>
      %reduce_or3A_193 = arith.cmpf ogt, %reduce_or3A_190, %reduce_or3A_192 : vector<256xf32>
      %broadcast_in_dim3A_194 = vector.shape_cast %reduce_or3A_193 : vector<256xi1> to vector<256x1xi1>
      %dot_general3A_195 = arith.constant dense<0.000000e+00> : vector<256x1xf32>
      %dot_general3A_196 = tpu.matmul %reshape3A, %broadcast_in_dim3A_2, %dot_general3A_195 {dimension_numbers = #tpu.dot_dimension_numbers<[0], [0], [1], [1], [0, 1, 1, 1], [], []>, transpose_lhs_hint = false} : vector<1x256xf32>, vector<1x1xf32>, vector<256x1xf32> -> vector<256x1xf32>
      %gt3A_197 = arith.constant 1.000000e-01 : f32
      %gt3A_198 = vector.broadcast %gt3A_197 : f32 to vector<256x1xf32>
      %gt3A_199 = arith.cmpf ogt, %dot_general3A_196, %gt3A_198 : vector<256x1xf32>
      %not3A_200 = arith.constant dense<true> : vector<256x1xi1>
      %not3A_201 = arith.xori %broadcast_in_dim3A_194, %not3A_200 : vector<256x1xi1>
      %and3A = arith.andi %gt3A_199, %not3A_201 : vector<256x1xi1>
      %min3A_202 = vector.broadcast %reshape3A_129 : vector<1x256xf32> to vector<256x256xf32>
      %min3A_203 = arith.minimumf %dot_general3A_146, %min3A_202 : vector<256x256xf32>
      %max3A_204 = vector.broadcast %reshape3A_119 : vector<1x256xf32> to vector<256x256xf32>
      %max3A_205 = arith.maximumf %dot_general3A_142, %max3A_204 : vector<256x256xf32>
      %sub3A_206 = arith.subf %min3A_203, %max3A_205 : vector<256x256xf32>
      %max3A_207 = arith.constant 0.000000e+00 : f32
      %max3A_208 = vector.broadcast %max3A_207 : f32 to vector<256x256xf32>
      %max3A_209 = arith.maximumf %sub3A_206, %max3A_208 : vector<256x256xf32>
      %min3A_210 = vector.broadcast %reshape3A_134 : vector<1x256xf32> to vector<256x256xf32>
      %min3A_211 = arith.minimumf %dot_general3A_148, %min3A_210 : vector<256x256xf32>
      %max3A_212 = vector.broadcast %reshape3A_124 : vector<1x256xf32> to vector<256x256xf32>
      %max3A_213 = arith.maximumf %dot_general3A_144, %max3A_212 : vector<256x256xf32>
      %sub3A_214 = arith.subf %min3A_211, %max3A_213 : vector<256x256xf32>
      %max3A_215 = arith.constant 0.000000e+00 : f32
      %max3A_216 = vector.broadcast %max3A_215 : f32 to vector<256x256xf32>
      %max3A_217 = arith.maximumf %sub3A_214, %max3A_216 : vector<256x256xf32>
      %mul3A_218 = arith.mulf %max3A_209, %max3A_217 : vector<256x256xf32>
      %add3A_219 = vector.broadcast %mul3A : vector<1x256xf32> to vector<256x256xf32>
      %add3A_220 = arith.addf %add3A_219, %dot_general3A_150 : vector<256x256xf32>
      %sub3A_221 = arith.subf %add3A_220, %mul3A_218 : vector<256x256xf32>
      %add3A_222 = arith.constant 9.99999997E-7 : f32
      %add3A_223 = vector.broadcast %add3A_222 : f32 to vector<256x256xf32>
      %add3A_224 = arith.addf %sub3A_221, %add3A_223 : vector<256x256xf32>
      %div3A_225 = arith.divf %mul3A_218, %add3A_224 : vector<256x256xf32>
      %gt3A_226 = arith.constant 5.000000e-01 : f32
      %gt3A_227 = vector.broadcast %gt3A_226 : f32 to vector<256x256xf32>
      %gt3A_228 = arith.cmpf ogt, %div3A_225, %gt3A_227 : vector<256x256xf32>
      %lt3A = arith.cmpi slt, %iota3A_3, %iota3A : vector<256x256xi32>
      %and3A_229 = arith.andi %gt3A_228, %lt3A : vector<256x256xi1>
      %convert_element_type3A_230 = arith.extui %and3A : vector<256x1xi1> to vector<256x1xi32>
      %convert_element_type3A_231 = arith.sitofp %convert_element_type3A_230 : vector<256x1xi32> to vector<256x1xf32>
      %sub3A_232 = arith.constant 1.000000e+00 : f32
      %sub3A_233 = vector.broadcast %sub3A_232 : f32 to vector<256x1xf32>
      %sub3A_234 = arith.subf %sub3A_233, %convert_element_type3A_231 : vector<256x1xf32>
      %dot_general3A_235 = arith.constant dense<0.000000e+00> : vector<1x256xf32>
      %dot_general3A_236 = tpu.matmul %sub3A_234, %convert_element_type3A_4, %dot_general3A_235 {dimension_numbers = #tpu.dot_dimension_numbers<[0], [0], [1], [1], [0, 1, 1, 1], [], []>, transpose_lhs_hint = false} : vector<256x1xf32>, vector<256x256xf32>, vector<1x256xf32> -> vector<1x256xf32>
      %while3A_237 = arith.constant true
      %while3A_238:3 = scf.while (%while3A_324 = %sub3A_234, %while3A_325 = %dot_general3A_236, %while3A_326 = %while3A_237) : (vector<256x1xf32>, vector<1x256xf32>, i1) -> (vector<256x1xf32>, vector<1x256xf32>, i1) {
        scf.condition(%while3A_326) %while3A_324, %while3A_325, %while3A_326 : vector<256x1xf32>, vector<1x256xf32>, i1
      } do {
      ^bb0(%while3A_324: vector<256x1xf32>, %while3A_325: vector<1x256xf32>, %while3A_326: i1):
        %lt3A_327 = arith.constant 5.000000e-01 : f32
        %lt3A_328 = vector.broadcast %lt3A_327 : f32 to vector<1x256xf32>
        %lt3A_329 = arith.cmpf olt, %while3A_325, %lt3A_328 : vector<1x256xf32>
        %and3A_330 = vector.broadcast %lt3A_329 : vector<1x256xi1> to vector<256x256xi1>
        %and3A_331 = arith.andi %and3A_229, %and3A_330 : vector<256x256xi1>
        %reduce_or3A_332 = arith.constant 1.000000e+00 : f32
        %reduce_or3A_333 = arith.constant 0.000000e+00 : f32
        %reduce_or3A_334 = vector.broadcast %reduce_or3A_332 : f32 to vector<256x256xf32>
        %reduce_or3A_335 = vector.broadcast %reduce_or3A_333 : f32 to vector<256x256xf32>
        %reduce_or3A_336 = arith.select %and3A_331, %reduce_or3A_334, %reduce_or3A_335 : vector<256x256xi1>, vector<256x256xf32>
        %reduce_or3A_337 = arith.constant dense<0xFF800000> : vector<256xf32>
        %reduce_or3A_338 = vector.multi_reduction <maximumf>, %reduce_or3A_336, %reduce_or3A_337 [1] : vector<256x256xf32> to vector<256xf32>
        %reduce_or3A_339 = arith.constant 0.000000e+00 : f32
        %reduce_or3A_340 = vector.broadcast %reduce_or3A_339 : f32 to vector<256xf32>
        %reduce_or3A_341 = arith.cmpf ogt, %reduce_or3A_338, %reduce_or3A_340 : vector<256xf32>
        %broadcast_in_dim3A_342 = vector.shape_cast %reduce_or3A_341 : vector<256xi1> to vector<256x1xi1>
        %lt3A_343 = arith.constant 5.000000e-01 : f32
        %lt3A_344 = vector.broadcast %lt3A_343 : f32 to vector<256x1xf32>
        %lt3A_345 = arith.cmpf olt, %while3A_324, %lt3A_344 : vector<256x1xf32>
        %not3A_346 = arith.constant dense<true> : vector<256x1xi1>
        %not3A_347 = arith.xori %broadcast_in_dim3A_342, %not3A_346 : vector<256x1xi1>
        %and3A_348 = arith.andi %lt3A_345, %not3A_347 : vector<256x1xi1>
        %convert_element_type3A_349 = arith.extui %and3A_348 : vector<256x1xi1> to vector<256x1xi32>
        %convert_element_type3A_350 = arith.sitofp %convert_element_type3A_349 : vector<256x1xi32> to vector<256x1xf32>
        %dot_general3A_351 = arith.constant dense<0.000000e+00> : vector<1x256xf32>
        %dot_general3A_352 = tpu.matmul %convert_element_type3A_350, %convert_element_type3A_4, %dot_general3A_351 {dimension_numbers = #tpu.dot_dimension_numbers<[0], [0], [1], [1], [0, 1, 1, 1], [], []>, transpose_lhs_hint = false} : vector<256x1xf32>, vector<256x256xf32>, vector<1x256xf32> -> vector<1x256xf32>
        %gt3A_353 = arith.constant 5.000000e-01 : f32
        %gt3A_354 = vector.broadcast %gt3A_353 : f32 to vector<1x256xf32>
        %gt3A_355 = arith.cmpf ogt, %dot_general3A_352, %gt3A_354 : vector<1x256xf32>
        %and3A_356 = vector.broadcast %gt3A_355 : vector<1x256xi1> to vector<256x256xi1>
        %and3A_357 = arith.andi %and3A_229, %and3A_356 : vector<256x256xi1>
        %reduce_or3A_358 = arith.constant 1.000000e+00 : f32
        %reduce_or3A_359 = arith.constant 0.000000e+00 : f32
        %reduce_or3A_360 = vector.broadcast %reduce_or3A_358 : f32 to vector<256x256xf32>
        %reduce_or3A_361 = vector.broadcast %reduce_or3A_359 : f32 to vector<256x256xf32>
        %reduce_or3A_362 = arith.select %and3A_357, %reduce_or3A_360, %reduce_or3A_361 : vector<256x256xi1>, vector<256x256xf32>
        %reduce_or3A_363 = arith.constant dense<0xFF800000> : vector<256xf32>
        %reduce_or3A_364 = vector.multi_reduction <maximumf>, %reduce_or3A_362, %reduce_or3A_363 [1] : vector<256x256xf32> to vector<256xf32>
        %reduce_or3A_365 = arith.constant 0.000000e+00 : f32
        %reduce_or3A_366 = vector.broadcast %reduce_or3A_365 : f32 to vector<256xf32>
        %reduce_or3A_367 = arith.cmpf ogt, %reduce_or3A_364, %reduce_or3A_366 : vector<256xf32>
        %broadcast_in_dim3A_368 = vector.shape_cast %reduce_or3A_367 : vector<256xi1> to vector<256x1xi1>
        %convert_element_type3A_369 = arith.extui %broadcast_in_dim3A_368 : vector<256x1xi1> to vector<256x1xi32>
        %convert_element_type3A_370 = arith.sitofp %convert_element_type3A_369 : vector<256x1xi32> to vector<256x1xf32>
        %max3A_371 = arith.maximumf %while3A_324, %convert_element_type3A_370 : vector<256x1xf32>
        %ne3A = arith.cmpf one, %max3A_371, %while3A_324 : vector<256x1xf32>
        %reduce_or3A_372 = arith.constant 1.000000e+00 : f32
        %reduce_or3A_373 = arith.constant 0.000000e+00 : f32
        %reduce_or3A_374 = vector.broadcast %reduce_or3A_372 : f32 to vector<256x1xf32>
        %reduce_or3A_375 = vector.broadcast %reduce_or3A_373 : f32 to vector<256x1xf32>
        %reduce_or3A_376 = arith.select %ne3A, %reduce_or3A_374, %reduce_or3A_375 : vector<256x1xi1>, vector<256x1xf32>
        %reduce_or3A_377 = vector.shape_cast %reduce_or3A_376 : vector<256x1xf32> to vector<1x256x1xf32>
        %reduce_or3A_378 = arith.constant dense<0xFF800000> : vector<1xf32>
        %reduce_or3A_379 = vector.multi_reduction <maximumf>, %reduce_or3A_377, %reduce_or3A_378 [1, 2] : vector<1x256x1xf32> to vector<1xf32>
        %reduce_or3A_380 = vector.shape_cast %reduce_or3A_379 : vector<1xf32> to vector<1x1x1xf32>
        %reduce_or3A_381 = vector.extract %reduce_or3A_380[0, 0, 0] : f32 from vector<1x1x1xf32>
        %reduce_or3A_382 = arith.constant 0.000000e+00 : f32
        %reduce_or3A_383 = arith.cmpf ogt, %reduce_or3A_381, %reduce_or3A_382 : f32
        %dot_general3A_384 = arith.constant dense<0.000000e+00> : vector<1x256xf32>
        %dot_general3A_385 = tpu.matmul %max3A_371, %convert_element_type3A_4, %dot_general3A_384 {dimension_numbers = #tpu.dot_dimension_numbers<[0], [0], [1], [1], [0, 1, 1, 1], [], []>, transpose_lhs_hint = false} : vector<256x1xf32>, vector<256x256xf32>, vector<1x256xf32> -> vector<1x256xf32>
        scf.yield %max3A_371, %dot_general3A_385, %reduce_or3A_383 : vector<256x1xf32>, vector<1x256xf32>, i1
      }
      %lt3A_239 = arith.constant 5.000000e-01 : f32
      %lt3A_240 = vector.broadcast %lt3A_239 : f32 to vector<1x256xf32>
      %lt3A_241 = arith.cmpf olt, %while3A_238#1, %lt3A_240 : vector<1x256xf32>
      %and3A_242 = vector.broadcast %lt3A_241 : vector<1x256xi1> to vector<256x256xi1>
      %and3A_243 = arith.andi %and3A_229, %and3A_242 : vector<256x256xi1>
      %reduce_or3A_244 = arith.constant 1.000000e+00 : f32
      %reduce_or3A_245 = arith.constant 0.000000e+00 : f32
      %reduce_or3A_246 = vector.broadcast %reduce_or3A_244 : f32 to vector<256x256xf32>
      %reduce_or3A_247 = vector.broadcast %reduce_or3A_245 : f32 to vector<256x256xf32>
      %reduce_or3A_248 = arith.select %and3A_243, %reduce_or3A_246, %reduce_or3A_247 : vector<256x256xi1>, vector<256x256xf32>
      %reduce_or3A_249 = arith.constant dense<0xFF800000> : vector<256xf32>
      %reduce_or3A_250 = vector.multi_reduction <maximumf>, %reduce_or3A_248, %reduce_or3A_249 [1] : vector<256x256xf32> to vector<256xf32>
      %reduce_or3A_251 = arith.constant 0.000000e+00 : f32
      %reduce_or3A_252 = vector.broadcast %reduce_or3A_251 : f32 to vector<256xf32>
      %reduce_or3A_253 = arith.cmpf ogt, %reduce_or3A_250, %reduce_or3A_252 : vector<256xf32>
      %broadcast_in_dim3A_254 = vector.shape_cast %reduce_or3A_253 : vector<256xi1> to vector<256x1xi1>
      %lt3A_255 = arith.constant 5.000000e-01 : f32
      %lt3A_256 = vector.broadcast %lt3A_255 : f32 to vector<256x1xf32>
      %lt3A_257 = arith.cmpf olt, %while3A_238#0, %lt3A_256 : vector<256x1xf32>
      %not3A_258 = arith.constant dense<true> : vector<256x1xi1>
      %not3A_259 = arith.xori %broadcast_in_dim3A_254, %not3A_258 : vector<256x1xi1>
      %and3A_260 = arith.andi %lt3A_257, %not3A_259 : vector<256x1xi1>
      %convert_element_type3A_261 = arith.extui %and3A_260 : vector<256x1xi1> to vector<256x1xi32>
      %convert_element_type3A_262 = arith.sitofp %convert_element_type3A_261 : vector<256x1xi32> to vector<256x1xf32>
      %dot_general3A_263 = arith.constant dense<0.000000e+00> : vector<1x256xf32>
      %dot_general3A_264 = tpu.matmul %convert_element_type3A_262, %convert_element_type3A_4, %dot_general3A_263 {dimension_numbers = #tpu.dot_dimension_numbers<[0], [0], [1], [1], [0, 1, 1, 1], [], []>, transpose_lhs_hint = false} : vector<256x1xf32>, vector<256x256xf32>, vector<1x256xf32> -> vector<1x256xf32>
      %dot_general3A_265 = arith.constant dense<0.000000e+00> : vector<1x256xf32>
      %dot_general3A_266 = tpu.matmul %dot_general3A_264, %convert_element_type3A_6, %dot_general3A_265 {dimension_numbers = #tpu.dot_dimension_numbers<[1], [0], [0], [1], [0, 0, 1, 1], [], []>, transpose_lhs_hint = false} : vector<1x256xf32>, vector<256x256xf32>, vector<1x256xf32> -> vector<1x256xf32>
      %sub3A_267 = arith.constant 1.000000e+00 : f32
      %sub3A_268 = vector.broadcast %sub3A_267 : f32 to vector<1x256xf32>
      %sub3A_269 = arith.subf %dot_general3A_266, %sub3A_268 : vector<1x256xf32>
      %convert_element_type3A_270 = arith.sitofp %while3A_103 : i32 to f32
      %add3A_271 = vector.broadcast %convert_element_type3A_270 : f32 to vector<1x256xf32>
      %add3A_272 = arith.addf %sub3A_269, %add3A_271 : vector<1x256xf32>
      %dot_general3A_273 = arith.constant dense<0.000000e+00> : vector<256x1xf32>
      %dot_general3A_274 = tpu.matmul %add3A_272, %broadcast_in_dim3A_2, %dot_general3A_273 {dimension_numbers = #tpu.dot_dimension_numbers<[0], [0], [1], [1], [0, 1, 1, 1], [], []>, transpose_lhs_hint = false} : vector<1x256xf32>, vector<1x1xf32>, vector<256x1xf32> -> vector<256x1xf32>
      %round3A = math.roundeven %dot_general3A_274 : vector<256x1xf32>
      %convert_element_type3A_275 = arith.fptosi %round3A : vector<256x1xf32> to vector<256x1xi32>
      %eq3A_276 = vector.broadcast %convert_element_type3A_275 : vector<256x1xi32> to vector<256x256xi32>
      %eq3A_277 = arith.cmpi eq, %iota3A_3, %eq3A_276 : vector<256x256xi32>
      %dot_general3A_278 = arith.constant dense<0.000000e+00> : vector<256x1xf32>
      %dot_general3A_279 = tpu.matmul %dot_general3A_264, %broadcast_in_dim3A_2, %dot_general3A_278 {dimension_numbers = #tpu.dot_dimension_numbers<[0], [0], [1], [1], [0, 1, 1, 1], [], []>, transpose_lhs_hint = false} : vector<1x256xf32>, vector<1x1xf32>, vector<256x1xf32> -> vector<256x1xf32>
      %gt3A_280 = arith.constant 5.000000e-01 : f32
      %gt3A_281 = vector.broadcast %gt3A_280 : f32 to vector<256x1xf32>
      %gt3A_282 = arith.cmpf ogt, %dot_general3A_279, %gt3A_281 : vector<256x1xf32>
      %and3A_283 = vector.broadcast %gt3A_282 : vector<256x1xi1> to vector<256x256xi1>
      %and3A_284 = arith.andi %eq3A_277, %and3A_283 : vector<256x256xi1>
      %convert_element_type3A_285 = arith.extui %and3A_284 : vector<256x256xi1> to vector<256x256xi32>
      %convert_element_type3A_286 = arith.sitofp %convert_element_type3A_285 : vector<256x256xi32> to vector<256x256xf32>
      %dot_general3A_287 = arith.constant dense<0.000000e+00> : vector<1x256xf32>
      %dot_general3A_288 = tpu.matmul %reshape3A_119, %convert_element_type3A_286, %dot_general3A_287 {dimension_numbers = #tpu.dot_dimension_numbers<[1], [0], [0], [1], [0, 0, 1, 1], [], []>, transpose_lhs_hint = false} : vector<1x256xf32>, vector<256x256xf32>, vector<1x256xf32> -> vector<1x256xf32>
      %add3A_289 = arith.addf %while3A_106, %dot_general3A_288 : vector<1x256xf32>
      %dot_general3A_290 = arith.constant dense<0.000000e+00> : vector<1x256xf32>
      %dot_general3A_291 = tpu.matmul %reshape3A_124, %convert_element_type3A_286, %dot_general3A_290 {dimension_numbers = #tpu.dot_dimension_numbers<[1], [0], [0], [1], [0, 0, 1, 1], [], []>, transpose_lhs_hint = false} : vector<1x256xf32>, vector<256x256xf32>, vector<1x256xf32> -> vector<1x256xf32>
      %add3A_292 = arith.addf %while3A_107, %dot_general3A_291 : vector<1x256xf32>
      %dot_general3A_293 = arith.constant dense<0.000000e+00> : vector<1x256xf32>
      %dot_general3A_294 = tpu.matmul %reshape3A_129, %convert_element_type3A_286, %dot_general3A_293 {dimension_numbers = #tpu.dot_dimension_numbers<[1], [0], [0], [1], [0, 0, 1, 1], [], []>, transpose_lhs_hint = false} : vector<1x256xf32>, vector<256x256xf32>, vector<1x256xf32> -> vector<1x256xf32>
      %add3A_295 = arith.addf %while3A_108, %dot_general3A_294 : vector<1x256xf32>
      %dot_general3A_296 = arith.constant dense<0.000000e+00> : vector<1x256xf32>
      %dot_general3A_297 = tpu.matmul %reshape3A_134, %convert_element_type3A_286, %dot_general3A_296 {dimension_numbers = #tpu.dot_dimension_numbers<[1], [0], [0], [1], [0, 0, 1, 1], [], []>, transpose_lhs_hint = false} : vector<1x256xf32>, vector<256x256xf32>, vector<1x256xf32> -> vector<1x256xf32>
      %add3A_298 = arith.addf %while3A_109, %dot_general3A_297 : vector<1x256xf32>
      %dot_general3A_299 = arith.constant dense<0.000000e+00> : vector<1x256xf32>
      %dot_general3A_300 = tpu.matmul %reshape3A, %convert_element_type3A_286, %dot_general3A_299 {dimension_numbers = #tpu.dot_dimension_numbers<[1], [0], [0], [1], [0, 0, 1, 1], [], []>, transpose_lhs_hint = false} : vector<1x256xf32>, vector<256x256xf32>, vector<1x256xf32> -> vector<1x256xf32>
      %add3A_301 = arith.addf %while3A_110, %dot_general3A_300 : vector<1x256xf32>
      %reduce_sum3A = vector.shape_cast %dot_general3A_264 : vector<1x256xf32> to vector<1x1x256xf32>
      %reduce_sum3A_302 = arith.constant dense<0.000000e+00> : vector<1xf32>
      %reduce_sum3A_303 = vector.multi_reduction <add>, %reduce_sum3A, %reduce_sum3A_302 [1, 2] : vector<1x1x256xf32> to vector<1xf32>
      %reduce_sum3A_304 = vector.shape_cast %reduce_sum3A_303 : vector<1xf32> to vector<1x1x1xf32>
      %reduce_sum3A_305 = vector.extract %reduce_sum3A_304[0, 0, 0] : f32 from vector<1x1x1xf32>
      %convert_element_type3A_306 = arith.fptosi %reduce_sum3A_305 : f32 to i32
      %add3A_307 = arith.addi %while3A_103, %convert_element_type3A_306 : i32
      %add3A_308 = arith.constant 1 : i32
      %add3A_309 = arith.addi %while3A_102, %add3A_308 : i32
      %min3A_310 = arith.constant 79 : i32
      %min3A_311 = arith.minsi %add3A_309, %min3A_310 : i32
      %get3A_312 = arith.index_cast %min3A_311 : i32 to index
      %get3A_313 = arith.constant 0 : index
      %get3A_314 = arith.constant 0 : index
      %get3A_315 = vector.load %arg0[%get3A_312, %get3A_313, %get3A_314] : memref<80x1x256xf32, #tpu.memory_space<vmem>>, vector<1x1x1xf32>
      %squeeze3A = vector.extract %get3A_315[0, 0, 0] : f32 from vector<1x1x1xf32>
      %lt3A_316 = arith.constant 80 : i32
      %lt3A_317 = arith.cmpi slt, %add3A_309, %lt3A_316 : i32
      %le3A_318 = arith.constant 1.000000e-01 : f32
      %le3A_319 = arith.cmpf ole, %squeeze3A, %le3A_318 : f32
      %and3A_320 = arith.andi %lt3A_317, %le3A_319 : i1
      %gt3A_321 = arith.constant 1.000000e-01 : f32
      %gt3A_322 = arith.cmpf ogt, %squeeze3A, %gt3A_321 : f32
      %and3A_323 = arith.andi %lt3A_317, %gt3A_322 : i1
      scf.yield %add3A_309, %add3A_307, %and3A_323, %and3A_320, %add3A_289, %add3A_292, %add3A_295, %add3A_298, %add3A_301 : i32, i32, i1, i1, vector<1x256xf32>, vector<1x256xf32>, vector<1x256xf32>, vector<1x256xf32>, vector<1x256xf32>
    }
    %eq3A_18 = arith.constant 0 : i32
    %eq3A_19 = vector.broadcast %eq3A_18 : i32 to vector<1x128xi32>
    %eq3A_20 = arith.cmpi eq, %iota3A_7, %eq3A_19 : vector<1x128xi32>
    %dot_general3A = arith.constant dense<0.000000e+00> : vector<256x1xf32>
    %dot_general3A_21 = tpu.matmul %while3A_17#4, %broadcast_in_dim3A_2, %dot_general3A {dimension_numbers = #tpu.dot_dimension_numbers<[0], [0], [1], [1], [0, 1, 1, 1], [], []>, transpose_lhs_hint = false} : vector<1x256xf32>, vector<1x1xf32>, vector<256x1xf32> -> vector<256x1xf32>
    %jit3A = arith.constant 0.000000e+00 : f32
    %broadcast_in_dim3A_22 = vector.shape_cast %eq3A_20 : vector<1x128xi1> to vector<1x128xi1>
    %broadcast_in_dim3A_23 = vector.broadcast %broadcast_in_dim3A_22 : vector<1x128xi1> to vector<256x128xi1>
    %broadcast_in_dim3A_24 = vector.shape_cast %dot_general3A_21 : vector<256x1xf32> to vector<256x1xf32>
    %broadcast_in_dim3A_25 = vector.broadcast %broadcast_in_dim3A_24 : vector<256x1xf32> to vector<256x128xf32>
    %broadcast_in_dim3A_26 = vector.broadcast %jit3A : f32 to vector<256x128xf32>
    %select_n3A = arith.select %broadcast_in_dim3A_23, %broadcast_in_dim3A_25, %broadcast_in_dim3A_26 : vector<256x128xi1>, vector<256x128xf32>
    %eq3A_27 = arith.constant 1 : i32
    %eq3A_28 = vector.broadcast %eq3A_27 : i32 to vector<1x128xi32>
    %eq3A_29 = arith.cmpi eq, %iota3A_7, %eq3A_28 : vector<1x128xi32>
    %dot_general3A_30 = arith.constant dense<0.000000e+00> : vector<256x1xf32>
    %dot_general3A_31 = tpu.matmul %while3A_17#5, %broadcast_in_dim3A_2, %dot_general3A_30 {dimension_numbers = #tpu.dot_dimension_numbers<[0], [0], [1], [1], [0, 1, 1, 1], [], []>, transpose_lhs_hint = false} : vector<1x256xf32>, vector<1x1xf32>, vector<256x1xf32> -> vector<256x1xf32>
    %jit3A_32 = arith.constant 0.000000e+00 : f32
    %broadcast_in_dim3A_33 = vector.shape_cast %eq3A_29 : vector<1x128xi1> to vector<1x128xi1>
    %broadcast_in_dim3A_34 = vector.broadcast %broadcast_in_dim3A_33 : vector<1x128xi1> to vector<256x128xi1>
    %broadcast_in_dim3A_35 = vector.shape_cast %dot_general3A_31 : vector<256x1xf32> to vector<256x1xf32>
    %broadcast_in_dim3A_36 = vector.broadcast %broadcast_in_dim3A_35 : vector<256x1xf32> to vector<256x128xf32>
    %broadcast_in_dim3A_37 = vector.broadcast %jit3A_32 : f32 to vector<256x128xf32>
    %select_n3A_38 = arith.select %broadcast_in_dim3A_34, %broadcast_in_dim3A_36, %broadcast_in_dim3A_37 : vector<256x128xi1>, vector<256x128xf32>
    %add3A = arith.addf %select_n3A, %select_n3A_38 : vector<256x128xf32>
    %eq3A_39 = arith.constant 2 : i32
    %eq3A_40 = vector.broadcast %eq3A_39 : i32 to vector<1x128xi32>
    %eq3A_41 = arith.cmpi eq, %iota3A_7, %eq3A_40 : vector<1x128xi32>
    %dot_general3A_42 = arith.constant dense<0.000000e+00> : vector<256x1xf32>
    %dot_general3A_43 = tpu.matmul %while3A_17#6, %broadcast_in_dim3A_2, %dot_general3A_42 {dimension_numbers = #tpu.dot_dimension_numbers<[0], [0], [1], [1], [0, 1, 1, 1], [], []>, transpose_lhs_hint = false} : vector<1x256xf32>, vector<1x1xf32>, vector<256x1xf32> -> vector<256x1xf32>
    %jit3A_44 = arith.constant 0.000000e+00 : f32
    %broadcast_in_dim3A_45 = vector.shape_cast %eq3A_41 : vector<1x128xi1> to vector<1x128xi1>
    %broadcast_in_dim3A_46 = vector.broadcast %broadcast_in_dim3A_45 : vector<1x128xi1> to vector<256x128xi1>
    %broadcast_in_dim3A_47 = vector.shape_cast %dot_general3A_43 : vector<256x1xf32> to vector<256x1xf32>
    %broadcast_in_dim3A_48 = vector.broadcast %broadcast_in_dim3A_47 : vector<256x1xf32> to vector<256x128xf32>
    %broadcast_in_dim3A_49 = vector.broadcast %jit3A_44 : f32 to vector<256x128xf32>
    %select_n3A_50 = arith.select %broadcast_in_dim3A_46, %broadcast_in_dim3A_48, %broadcast_in_dim3A_49 : vector<256x128xi1>, vector<256x128xf32>
    %add3A_51 = arith.addf %add3A, %select_n3A_50 : vector<256x128xf32>
    %eq3A_52 = arith.constant 3 : i32
    %eq3A_53 = vector.broadcast %eq3A_52 : i32 to vector<1x128xi32>
    %eq3A_54 = arith.cmpi eq, %iota3A_7, %eq3A_53 : vector<1x128xi32>
    %dot_general3A_55 = arith.constant dense<0.000000e+00> : vector<256x1xf32>
    %dot_general3A_56 = tpu.matmul %while3A_17#7, %broadcast_in_dim3A_2, %dot_general3A_55 {dimension_numbers = #tpu.dot_dimension_numbers<[0], [0], [1], [1], [0, 1, 1, 1], [], []>, transpose_lhs_hint = false} : vector<1x256xf32>, vector<1x1xf32>, vector<256x1xf32> -> vector<256x1xf32>
    %jit3A_57 = arith.constant 0.000000e+00 : f32
    %broadcast_in_dim3A_58 = vector.shape_cast %eq3A_54 : vector<1x128xi1> to vector<1x128xi1>
    %broadcast_in_dim3A_59 = vector.broadcast %broadcast_in_dim3A_58 : vector<1x128xi1> to vector<256x128xi1>
    %broadcast_in_dim3A_60 = vector.shape_cast %dot_general3A_56 : vector<256x1xf32> to vector<256x1xf32>
    %broadcast_in_dim3A_61 = vector.broadcast %broadcast_in_dim3A_60 : vector<256x1xf32> to vector<256x128xf32>
    %broadcast_in_dim3A_62 = vector.broadcast %jit3A_57 : f32 to vector<256x128xf32>
    %select_n3A_63 = arith.select %broadcast_in_dim3A_59, %broadcast_in_dim3A_61, %broadcast_in_dim3A_62 : vector<256x128xi1>, vector<256x128xf32>
    %add3A_64 = arith.addf %add3A_51, %select_n3A_63 : vector<256x128xf32>
    %eq3A_65 = arith.constant 4 : i32
    %eq3A_66 = vector.broadcast %eq3A_65 : i32 to vector<1x128xi32>
    %eq3A_67 = arith.cmpi eq, %iota3A_7, %eq3A_66 : vector<1x128xi32>
    %dot_general3A_68 = arith.constant dense<0.000000e+00> : vector<256x1xf32>
    %dot_general3A_69 = tpu.matmul %while3A_17#8, %broadcast_in_dim3A_2, %dot_general3A_68 {dimension_numbers = #tpu.dot_dimension_numbers<[0], [0], [1], [1], [0, 1, 1, 1], [], []>, transpose_lhs_hint = false} : vector<1x256xf32>, vector<1x1xf32>, vector<256x1xf32> -> vector<256x1xf32>
    %jit3A_70 = arith.constant 0.000000e+00 : f32
    %broadcast_in_dim3A_71 = vector.shape_cast %eq3A_67 : vector<1x128xi1> to vector<1x128xi1>
    %broadcast_in_dim3A_72 = vector.broadcast %broadcast_in_dim3A_71 : vector<1x128xi1> to vector<256x128xi1>
    %broadcast_in_dim3A_73 = vector.shape_cast %dot_general3A_69 : vector<256x1xf32> to vector<256x1xf32>
    %broadcast_in_dim3A_74 = vector.broadcast %broadcast_in_dim3A_73 : vector<256x1xf32> to vector<256x128xf32>
    %broadcast_in_dim3A_75 = vector.broadcast %jit3A_70 : f32 to vector<256x128xf32>
    %select_n3A_76 = arith.select %broadcast_in_dim3A_72, %broadcast_in_dim3A_74, %broadcast_in_dim3A_75 : vector<256x128xi1>, vector<256x128xf32>
    %add3A_77 = arith.addf %add3A_64, %select_n3A_76 : vector<256x128xf32>
    %swap3A = arith.constant 0 : index
    %swap3A_78 = arith.constant 0 : index
    %swap3A_79 = vector.load %arg5[%swap3A, %swap3A_78] : memref<256x128xf32, #tpu.memory_space<vmem>>, vector<256x128xf32>
    tpu.vector_store %arg5[%swap3A, %swap3A_78], %add3A_77 {strides = array<i32>} : memref<256x128xf32, #tpu.memory_space<vmem>>, vector<256x128xf32>,
    %ge3A = arith.constant 256 : i32
    %ge3A_80 = arith.cmpi sge, %while3A_17#1, %ge3A : i32
    %or3A = arith.ori %ge3A_80, %while3A_17#3 : i1
    %eq3A_81 = arith.constant 0 : i32
    %eq3A_82 = vector.broadcast %eq3A_81 : i32 to vector<1x128xi32>
    %eq3A_83 = arith.cmpi eq, %iota3A_7, %eq3A_82 : vector<1x128xi32>
    %convert_element_type3A_84 = arith.sitofp %while3A_17#1 : i32 to f32
    %jit3A_85 = arith.constant 0.000000e+00 : f32
    %broadcast_in_dim3A_86 = vector.broadcast %convert_element_type3A_84 : f32 to vector<1x128xf32>
    %broadcast_in_dim3A_87 = vector.broadcast %jit3A_85 : f32 to vector<1x128xf32>
    %select_n3A_88 = arith.select %eq3A_83, %broadcast_in_dim3A_86, %broadcast_in_dim3A_87 : vector<1x128xi1>, vector<1x128xf32>
    %eq3A_89 = arith.constant 1 : i32
    %eq3A_90 = vector.broadcast %eq3A_89 : i32 to vector<1x128xi32>
    %eq3A_91 = arith.cmpi eq, %iota3A_7, %eq3A_90 : vector<1x128xi32>
    %convert_element_type3A_92 = arith.extui %or3A : i1 to i32
    %convert_element_type3A_93 = arith.sitofp %convert_element_type3A_92 : i32 to f32
    %jit3A_94 = arith.constant 0.000000e+00 : f32
    %broadcast_in_dim3A_95 = vector.broadcast %convert_element_type3A_93 : f32 to vector<1x128xf32>
    %broadcast_in_dim3A_96 = vector.broadcast %jit3A_94 : f32 to vector<1x128xf32>
    %select_n3A_97 = arith.select %eq3A_91, %broadcast_in_dim3A_95, %broadcast_in_dim3A_96 : vector<1x128xi1>, vector<1x128xf32>
    %add3A_98 = arith.addf %select_n3A_88, %select_n3A_97 : vector<1x128xf32>
    %swap3A_99 = arith.constant 0 : index
    %swap3A_100 = arith.constant 0 : index
    %swap3A_101 = vector.load %arg6[%swap3A_99, %swap3A_100] : memref<1x128xf32, #tpu.memory_space<vmem>>, vector<1x128xf32>
    tpu.vector_store %arg6[%swap3A_99, %swap3A_100], %add3A_98 {strides = array<i32>} : memref<1x128xf32, #tpu.memory_space<vmem>>, vector<1x128xf32>,
    return
  }
}

</mosaic_0001>

<sc_bundles>
// kernel: gather_offload_async_start.1
scs
__scs_entry_jumppad:
0x0: {  	(pc) =	sbr.rel $0x88, $3  }
0x1: {  	(tag) =	ssettag $0x0;
	lr =	simm.s32 $0x1  }
0x2: {  	[smem:$0x3F9F] =	sst lr;
	_ =	strace $0xD0000000  }
0x3: {  	_ = 	snop  }
0x4: {  	_ = 	snop  }
0x5: {  	_ = 	snop  }
0x6: {  	_ = 	snop  }
0x7: {  	_ = 	snop  }
__scs_overlays_trampoline_lowered:
0x8: {  	[smem:$0x3FAE] =	sst s0  }
0x9: {  	[smem:$0x3FAF] =	sst s1  }
0xa: {  	[smem:$0x3FB0] =	sst s2  }
0xb: {  	[smem:$0x3FB1] =	sst s3  }
0xc: {  	[smem:$0x3FB2] =	sst s4  }
0xd: {  	[smem:$0x3FB3] =	sst s5  }
0xe: {  	[smem:$0x3FB4] =	sst s6  }
0xf: {  	[smem:$0x3FB5] =	sst s7  }
0x10: {  	[smem:$0x3FB6] =	sst s8  }
0x11: {  	[smem:$0x3FB7] =	sst s9;
	s0 =	simm.s32 @!p0 $0x0  }
0x12: {  	s1 =	sld [smem:$0x3F9D];
	s0 =	simm.s32 @p0 $0x1  }
0x13: {  	[smem:$0x3FB8] =	sst s0;
	s0 =	simm.s32 @!p1 $0x0  }
0x14: {  	s2 =	sld [smem:$0x3F9C];
	s0 =	simm.s32 @p1 $0x1  }
0x15: {  	[smem:$0x3FB9] =	sst s0;
	s0 =	simm.s32 @!p2 $0x0  }
0x16: {  	s3 =	sld [smem:$0x3FDB];
	s0 =	simm.s32 @p2 $0x1  }
0x17: {  	s4 =	simm.s32 $0x1BF5;
	[smem:$0x3FBB] =	sst s0  }
0x18: {  	s0 =	sld [smem:$0x3F9E];
	_ =	swait.ge [sflag:s4], $0x0  }
0x19: {  	s7 =	sld [smem:$0x3F9F]  }
0x1a: {  	s8 =	sadd.s32 $0xFFFFE003, lr  }
0x1b: {  	s9 =	sadd.s32 $0xFFFFFEF7, lr;
	s5 =	simm.s32 $0xFFFFFFFF;
	p2 =	slt.u32 s8, $0xFFFFF086  }
0x1c: {  	p1 =	slt.u32 s9, $0xF7A;
	s5 =	simm.s32 @!p2 $0x0  }
0x1d: {  	s5 =	simm.s32 @p1 $0x1;
	p0 =	seq.s32 s7, s2  }
0x1e: {  	s7 =	smul.u32 @!p0 $0xF7A, s2;
	p2 =	seq.s32 @!p0 s5, $0x0  }
0x1f: {  	s9 =	smul.u32 $0xF7A, s1;
	s8 =	simm.s32 @!p0 $0x1BF5;
	p2 =	por !p2, p0  }
0x20: {  	[sflag:s8] =	ssyncset.s32 @!p0 $0xFFFFF086;
	s6 =	sadd.s32 @!p0 s3, s7;
	s7 =	simm.s32 @!p0 $0x108  }
0x21: {  	s3 =	sadd.s32 s3, s9;
	s6 =	sadd.s32 @!p0 $0x88, s6;
	s7 =	simm.s32 @p2 $0x1082  }
0x22: {  	[simem:s7], [sflag:s8] =	dma.local @!p0 [hbm:s6], $0xF7A  }
0x23: {  	s9 =	sor.u32 $0xD0000000, s2;
	s6 =	simm.s32 $0x108;
	_ =	swait.ge @!p0 [sflag:s8], $0x0  }
0x24: {  	s3 =	sadd.s32 $0x88, s3;
	s6 =	simm.s32 @!p1 $0x1082;
	[sflag:s4] =	ssyncset.s32 $0xFFFFF086  }
0x25: {  	[simem:s6], [sflag:s4] =	dma.local [hbm:s3], $0xF7A  }
0x26: {  	[smem:$0x3F9F] =	sst s1;
	(tag) =	ssettag s2;
	_ =	strace s9  }
0x27: {  	s1 =	sld [smem:$0x3FAF]  }
0x28: {  	s2 =	sld [smem:$0x3FB0]  }
0x29: {  	s4 =	sld [smem:$0x3FB2]  }
0x2a: {  	p0 =	seq.s32 s5, $0x0;
	s5 =	sld [smem:$0x3FB3]  }
0x2b: {  	s6 =	sld [smem:$0x3FB4]  }
0x2c: {  	s7 =	sld [smem:$0x3FB5]  }
0x2d: {  	s3 =	simm.s32 $0x108;
	s8 =	sld [smem:$0x3FB6]  }
0x2e: {  	s3 =	simm.s32 @!p0 $0x1082;
	s9 =	sld [smem:$0x3FB7]  }
0x2f: {  	lr =	sadd.s32 s0, s3;
	s0 =	sld [smem:$0x3FAE]  }
0x30: {  	s3 =	sld [smem:$0x3FB1]  }
0x31: {  	[smem:$0x3FBA] =	sst s10  }
0x32: {  	s10 =	sld [smem:$0x3FB8];
	_ =	sdelay $0x3  }
0x33: {  	p0 =	seq.s32 s10, $0x1;
	s10 =	sld [smem:$0x3FBA];
	_ =	sdelay $0x3  }
0x34: {  	[smem:$0x3FBA] =	sst s10  }
0x35: {  	s10 =	sld [smem:$0x3FB9];
	_ =	sdelay $0x3  }
0x36: {  	p1 =	seq.s32 s10, $0x1;
	s10 =	sld [smem:$0x3FBA];
	_ =	sdelay $0x3  }
0x37: {  	[smem:$0x3FBA] =	sst s10  }
0x38: {  	s10 =	sld [smem:$0x3FBB]  }
0x39: {  	_ = 	snop;
	(pc) =	sbr.ind lr, $3  }
0x3a: {  	_ = 	snop  }
0x3b: {  	_ = 	snop  }
0x3c: {  	p2 =	seq.s32 s10, $0x1;
	s10 =	sld [smem:$0x3FBA]  }
0x3d: {  	_ =	shalt  }
0x3e: {  	_ =	shalt  }
0x3f: {  	_ =	shalt  }
0x40: {  	_ =	shalt  }
0x41: {  	_ =	shalt  }
0x42: {  	_ =	shalt  }
0x43: {  	_ =	shalt  }
0x44: {  	_ =	shalt  }
0x45: {  	_ =	shalt  }
0x46: {  	_ =	shalt  }
0x47: {  	_ =	shalt  }
0x48: {  	_ =	shalt  }
0x49: {  	_ =	shalt  }
0x4a: {  	_ =	shalt  }
0x4b: {  	_ =	shalt  }
0x4c: {  	_ =	shalt  }
0x4d: {  	_ =	shalt  }
0x4e: {  	_ =	shalt  }
0x4f: {  	_ =	shalt  }
0x50: {  	_ =	shalt  }
0x51: {  	_ =	shalt  }
0x52: {  	_ =	shalt  }
0x53: {  	_ =	shalt  }
0x54: {  	_ =	shalt  }
0x55: {  	_ =	shalt  }
0x56: {  	_ =	shalt  }
0x57: {  	_ =	shalt  }
0x58: {  	_ =	shalt  }
0x59: {  	_ =	shalt  }
0x5a: {  	_ =	shalt  }
0x5b: {  	_ =	shalt  }
0x5c: {  	_ =	shalt  }
0x5d: {  	_ =	shalt  }
0x5e: {  	_ =	shalt  }
0x5f: {  	_ =	shalt  }
0x60: {  	_ =	shalt  }
0x61: {  	_ =	shalt  }
0x62: {  	_ =	shalt  }
0x63: {  	_ =	shalt  }
0x64: {  	_ =	shalt  }
0x65: {  	_ =	shalt  }
0x66: {  	_ =	shalt  }
0x67: {  	_ =	shalt  }
0x68: {  	_ =	shalt  }
0x69: {  	_ =	shalt  }
0x6a: {  	_ =	shalt  }
0x6b: {  	_ =	shalt  }
0x6c: {  	_ =	shalt  }
0x6d: {  	_ =	shalt  }
0x6e: {  	_ =	shalt  }
0x6f: {  	_ =	shalt  }
0x70: {  	_ =	shalt  }
0x71: {  	_ =	shalt  }
0x72: {  	_ =	shalt  }
0x73: {  	_ =	shalt  }
0x74: {  	_ =	shalt  }
0x75: {  	_ =	shalt  }
0x76: {  	_ =	shalt  }
0x77: {  	_ =	shalt  }
0x78: {  	_ =	shalt  }
0x79: {  	_ =	shalt  }
0x7a: {  	_ =	shalt  }
0x7b: {  	_ =	shalt  }
0x7c: {  	_ =	shalt  }
0x7d: {  	_ =	shalt  }
0x7e: {  	_ =	shalt  }
0x7f: {  	_ =	shalt  }
0x80: {  	_ =	shalt  }
0x81: {  	_ =	shalt  }
0x82: {  	_ =	shalt  }
0x83: {  	_ =	shalt  }
0x84: {  	_ =	shalt  }
0x85: {  	_ =	shalt  }
0x86: {  	_ =	shalt  }
0x87: {  	_ =	shalt  }
.Lfunc_end0:
.L_simem_size_0:
called_computation.1_lowered:
.L_overlay_start_0:
0x88: {  	s2 =	sld [smem:$0x3FD9]  }
0x89: {  	s3 =	sld [smem:$0x3FFE];
	_ =	sdelay $0x1  }
0x8a: {  	s1 =	srdreg.scid  }
0x8b: {  	s0 =	sand.u32 $0x1, s1  }
0x8c: {  	s16 =	sshll.u32 s0, $0xA;
	s2 =	sadd.s32 s3, s2  }
0x8d: {  	s2 =	sadd.s32 s2, s16  }
0x8e: {  	[smem:$0x3FC6] =	sst s2  }
0x8f: {  	_ = 	snop  }
0x90: {  	(tm) =	ssettm $0x1  }
0x91: {  	s17 =	sld [smem:$0x3FFB];
	_ =	sdelay $0x3  }
0x92: {  	_ =	strace s17  }
0x93: {  	s2 =	sld [smem:$0x3FFC];
	_ =	sdelay $0x3  }
0x94: {  	_ =	strace s2  }
0x95: {  	s2 =	sld [smem:$0x3FFD];
	_ =	sdelay $0x3  }
0x96: {  	_ =	strace s2  }
0x97: {  	_ =	strace $0x8FFFFFFF  }
0x98: {  	s18 =	sld [smem:$0x3FDB];
	_ =	sdelay $0x1  }
0x99: {  	s19 =	simm.s32 $_scs_section_size  }
0x9a: {  	s4 =	simm.s32 $_size__tile_overlayer_lowered;
	s5 =	simm.s32 $_tile_overlayer_lowered  }
0x9b: {  	s22 =	simm.s32 $0x1BFF;
	s21 =	sshll.u32 s5, $0x1;
	s2 =	sadd.s32 s19, s18  }
0x9c: {  	s6 =	simm.s32 $0x0;
	s20 =	sshll.u32 s4, $0x1;
	s4 =	sadd.s32 s21, s2  }
0x9d: {  	[timem:s6], [sflag:s22] =	dma.local [hbm:s4], s20  }
0x9e: {  	_ =	swait.ge [sflag:s22], s20  }
0x9f: {  	s3 =	ssub.s32 $0x0, s20;
	[sflag:s22] =	ssyncset.done $0x0  }
0xa0: {  	[sflag:s22] =	ssyncadd.s32 s3;
	_ =	sdelay $0x1  }
0xa1: {  	s23 =	simm.s32 $0x1B8B  }
0xa2: {  	_ =	swait.ge [sflag:s23], $0x1  }
0xa3: {  	[sflag:s23] =	ssyncset.done $0x0  }
0xa4: {  	s25 =	simm.s32 $0x1B8E;
	s24 =	sld [smem:$0x3FFE];
	[sflag:s23] =	ssyncadd.s32 $0xFFFFFFFF  }
0xa5: {  	s26 =	simm.s32 $execute0_lowered;
	[smem:$0x3FD2] =	sst s25  }
0xa6: {  	s4 =	sshll.u32 s26, $0x1;
	_ =	strace $0x80000049;
	[dreg:$0x1] =	wrdreg $0xFFFFFFFF  }
0xa7: {  	s28 =	simm.s32 $_size_execute0_lowered;
	s2 =	sadd.s32 s2, s4;
	[dreg:$0x0] =	wrdreg $0x0  }
0xa8: {  	s4 =	sshll.u32 s28, $0x1;
	[dreg:$0x2] =	wrdreg s2  }
0xa9: {  	[dreg:$0x3] =	wrdreg s4  }
0xaa: {  	[dreg:$0x4] =	wrdreg $0xC0  }
0xab: {  	_ =	task [dreg:s6], $0x5FFFF  }
0xac: {  	[dreg:$0x1] =	wrdreg $0xFFFFFFFF  }
0xad: {  	[dreg:$0x0] =	wrdreg $0x60  }
0xae: {  	[dreg:$0x2] =	wrdreg s24  }
0xaf: {  	[dreg:$0x3] =	wrdreg $0xA  }
0xb0: {  	_ =	task.clear_ibuf [dreg:s6], $0x4FFFF;
	_ =	strace $0x90000049  }
0xb1: {  	s29 =	simm.s32 $0xA;
	_ =	strace $0x8000004B  }
0xb2: {  	_ =	swait.ge [sflag:s29], $0x1  }
0xb3: {  	[sflag:s29] =	ssyncadd.s32 $0xFFFFFFFF  }
0xb4: {  	_ =	strace $0x9000004B  }
0xb5: {  	_ =	sfence  }
0xb6: {  	s30 =	sld [smem:$0x0];
	_ =	sdelay $0x2  }
0xb7: {  	s31 =	sshll.u32 s1, $0xD;
	s1 =	sshrl.u32 s1, $0x2  }
0xb8: {  	s3 =	sand.u32 $0x4000, s31;
	s1 =	sadd.s32 s1, s30  }
0xb9: {  	s0 =	sor.u32 s3, s0;
	s1 =	sshll.u32 s1, $0x11  }
0xba: {  	s0 =	sor.u32 s1, s0  }
0xbb: {  	s0 =	sadd.s32 $0x8F2B, s0  }
0xbc: {  	[sflag:s0] =	ssyncadd.remote.s32 $0x1  }
0xbd: {  	_ =	sfence.sel $0xFFFF  }
0xbe: {  	[dreg:$0x0] =	wrdreg $0xFFFFFFFF;
	(pc) =	sbr.abs _section_cstart, $3  }
0xbf: {  	[dreg:$0x1] =	wrdreg $0xFFFFFFFF  }
0xc0: {  	_ =	task.clear_ibuf [dreg:s6], $0x2FFFF;
	_ =	strace $0x9FFFFFFF  }
0xc1: {  	(tm) =	ssettm $0x7FFFFFFF  }
tec
execute0_lowered:
.L_overlay_start_1:
0x0: {  	(tag) =	ssettag $0x1  }
0x1: {  	s0 =	srdreg.scid  }
0x2: {  	s1 =	sshll.u32 s0, $0x4  }
0x3: {  	s0 =	stileid.u32;
	s1 =	sand.u32 $0x10, s1  }
0x4: {  	s2 =	sor.u32 s0, s1  }
0x5: {  	s3 =	smin.u32 s2, $0x10  }
0x6: {  	s1 =	sshll.u32 s1, $0x4;
	s2 =	sshll.u32 s2, $0x9;
	s3 =	sshll.u32 s3, $0x8  }
0x7: {  	s9 =	rddreg [dreg:$0x0];
	s1 =	sxor.u32 $0x300, s1;
	s2 =	sadd.s32 s2, s3  }
0x8: {  	s6 =	simm.s32 $0x1;
	s7 =	simm.s32 $0x2;
	s1 =	sadd.s32 s1, s2  }
0x9: {  	s10 =	simm.s32 $0x3;
	s13 =	simm.s32 $0x0;
	s3 =	smin.u32 s1, $0x5000  }
0xa: {  	s12 =	simm.s32 $0x0;
	s4 =	sadd.s32 $0x2600, s9;
	s8 =	ssub.s32 s3, s2  }
.Ltmp0:
0xb: {  	s5 =	sadd.s32 $0x1C00, s9;
	p0 =	sgt.s32 s8, $0x0;
	(pc) =	sbr.rel .LBB2_1-.Ltmp0, $4  }
0xc: {  	s1 =	rddreg [dreg:$0x1];
	_ =	strace $0x8000004A;
	s8 =	simm.s32 @!p0 $0x0  }
0xd: {  	s9 =	sadd.s32 $0x52600, s9;
	[sflag:s6] =	ssyncpa.u1 $0x0;
	s8 =	sadd.s32 $0xFF, s8  }
0xe: {  	s11 =	smov.u32 s2;
	[sflag:s7] =	ssyncpa.u1 $0x0;
	s8 =	sshrl.u32 s8, $0x8  }
0xf: {  	vm0 =	vmmov $0xff;
	vm1 =	vcmask $0x3F20;
	[sflag:s10] =	ssyncpa.u1 $0x0;
	p0 =	por $0x0, $0x0;
	s10 =	sadd.s32 $0x1, s8  }
.LBB2_6:
0x10: {  	[hbm:s17] =	stream.linear.scatter [tilespmem:s14], [sflag:$0x3], $0x400, $0x38;
	[tilespmem:$0x10200] =	vst v63  }
.LBB2_7:
0x11: {  	s13 =	sadd.s32 $0x100, s11  }
0x12: {  	s15 =	smov.u32 s2;
	p2 =	slt.s32 s13, s3  }
0x13: {  	s15 =	smov.u32 @p2 s13;
	p2 =	sne.s32 s12, s10  }
.Ltmp1:
0x14: {  	p1 =	slt.u32 s12, $0x2;
	(pc) =	sbr.rel @!p2 .LBB2_8-.Ltmp1, $4  }
0x15: {  	s14 =	simm.s32 @!p1 $0x3  }
0x16: {  	s16 =	sadd.s32 $0x1, s12;
	_ =	swait.ge @!p1 [sflag:s14], $0x8000  }
0x17: {  	p0 =	por !p0, !p0;
	s13 =	smov.u32 s11;
	[sflag:s14] =	ssyncset.done @!p1 $0x0  }
0x18: {  	s12 =	smov.u32 s16;
	s11 =	smov.u32 s15;
	[sflag:s14] =	ssyncadd.s32 @!p1 $0xFFFF8000  }
.LBB2_1:
0x19: {  	p1 =	sge.u32 s12, s8  }
0x1a: {  	s14 =	sxor.u32 @!p1 $0xFFFFFFFF, s12  }
0x1b: {  	s31 =	sadd.s32 $0xFFFFFFFF, s12;
	s15 =	sshrl.u32 @!p1 s11, $0x3;
	s14 =	sshll.u32 @!p1 s14, $0x8  }
0x1c: {  	s16 =	sand.u32 @!p1 $0x7, s11;
	s15 =	sadd.s32 @!p1 s5, s15;
	s14 =	sand.u32 @!p1 $0x100, s14  }
0x1d: {  	[tilespmem:s14], [sflag:$0x2] =	stream.linear.gather @!p1 [hbm4b:s15+s16], $0x100, $0x38;
	[tilespmem:$0x10200] =	vst v63  }
0x1e: {  	p1 =	sge.u32 s31, s8  }
.Ltmp2:
0x1f: {  	_ = 	snop;
	(pc) =	sbr.rel @p1 .LBB2_7-.Ltmp2, $1  }
0x20: {  	_ =	sdelay $0x3  }
0x21: {  	s14 =	simm.s32 $0x1  }
0x22: {  	_ =	swait.ge [sflag:s7], $0x100;
	s14 =	simm.s32 @!p0 $0x0  }
0x23: {  	[sflag:s7] =	ssyncset.done $0x0;
	s16 =	sshll.u32 s14, $0x8  }
0x24: {  	[sflag:s7] =	ssyncadd.s32 $0xFFFFFF00;
	s15 =	sadd.s32 $0x0, s16  }
0x25: {  	v0 =	vld.msk [tilespmem:s15+$0x0 ss:$0x1], $0xffff;
	_ =	sdelay $0x4  }
0x26: {  	vm2 =	vgt.s32 v0, $0x0  }
0x27: {  	v0 =	vnsel vm2, $0x0, v0  }
0x28: {  	v0 =	vmin.u32 v0, $0x4FFF  }
0x29: {  	v0 =	vshll.u32 v0, $0x4;
	_ =	sdelay $0x2  }
0x2a: {  	s14 =	sshll.u32 s14, $0xF  }
0x2b: {  	s14 =	sor.u32 $0x200, s14  }
0x2c: {  	[tilespmem:s14], [sflag:$0x1] =	stream.indirect_vreg.gather [hbm:s4], $0x80, v0, vm0, $0x38;
	[tilespmem:$0x10200] =	vst v63  }
0x2d: {  	s17 =	sadd.s32 $0x10, s16;
	s15 =	sadd.s32 $0x400, s14  }
0x2e: {  	[tilespmem:s15], [sflag:$0x1] =	stream.indirect_vreg.gather [hbm:s4], $0x80, v0, vm1, $0x38;
	[tilespmem:$0x10200] =	vst v63  }
0x2f: {  	s18 =	simm.s32 $0x80;
	v0 =	vld.msk [tilespmem:s17+$0x0 ss:$0x1], $0xffff;
	s17 =	smov.u32 s14  }
.LBB2_3:
0x30: {  	p1 =	sne.s32 s18, $0x3C0;
	_ =	sdelay $0x4  }
0x31: {  	vm2 =	vgt.s32 v0, $0x0  }
0x32: {  	v0 =	vnsel vm2, $0x0, v0  }
0x33: {  	v0 =	vmin.u32 v0, $0x4FFF  }
0x34: {  	v0 =	vshll.u32 v0, $0x4;
	_ =	sdelay $0x3  }
.Ltmp3:
0x35: {  	s19 =	sshra.s32 s18, $0x2;
	s17 =	sadd.s32 $0x800, s17;
	(pc) =	sbr.rel @p1 .LBB2_3-.Ltmp3, $4  }
0x36: {  	[tilespmem:s17], [sflag:$0x1] =	stream.indirect_vreg.gather [hbm:s4], $0x80, v0, vm0, $0x38;
	[tilespmem:$0x10200] =	vst v63  }
0x37: {  	s19 =	sadd.s32 s19, s16;
	s20 =	sadd.s32 $0x400, s17  }
0x38: {  	[tilespmem:s20], [sflag:$0x1] =	stream.indirect_vreg.gather [hbm:s4], $0x80, v0, vm1, $0x38;
	[tilespmem:$0x10200] =	vst v63  }
0x39: {  	s18 =	sadd.s32 $0x40, s18;
	v0 =	vld.msk [tilespmem:s19+$0x0 ss:$0x1], $0xffff  }
0x3a: {  	_ =	sdelay $0x3  }
0x3b: {  	vm2 =	vgt.s32 v0, $0x0  }
0x3c: {  	v0 =	vnsel vm2, $0x0, v0  }
0x3d: {  	v0 =	vmin.u32 v0, $0x4FFF  }
0x3e: {  	v0 =	vshll.u32 v0, $0x4;
	_ =	sdelay $0x3  }
0x3f: {  	s16 =	sadd.s32 $0x800, s17  }
0x40: {  	[tilespmem:s16], [sflag:$0x1] =	stream.indirect_vreg.gather [hbm:s4], $0x80, v0, vm0, $0x38;
	[tilespmem:$0x10200] =	vst v63  }
0x41: {  	s16 =	sadd.s32 $0x400, s16  }
0x42: {  	[tilespmem:s16], [sflag:$0x1] =	stream.indirect_vreg.gather [hbm:s4], $0x80, v0, vm1, $0x38;
	[tilespmem:$0x10200] =	vst v63  }
0x43: {  	s13 =	sshll.u32 s13, $0x4;
	_ =	swait.ge [sflag:s6], $0x8000  }
0x44: {  	s13 =	sadd.s32 s13, s9;
	[sflag:s6] =	ssyncset.done $0x0  }
0x45: {  	s17 =	sadd.s32 $0x0, s13;
	s16 =	simm.s32 $0x80;
	[sflag:s6] =	ssyncadd.s32 $0xFFFF8000  }
.LBB2_5:
0x46: {  	[hbm:s17] =	stream.linear.scatter [tilespmem:s14], [sflag:$0x3], $0x400, $0x38;
	[tilespmem:$0x10200] =	vst v63  }
0x47: {  	s17 =	smov.u32 s16;
	s14 =	smov.u32 s15;
	p1 =	sne.s32 s16, $0xF80  }
.Ltmp4:
0x48: {  	s16 =	sadd.s32 $0x80, s16;
	(pc) =	sbr.rel @p1 .LBB2_5-.Ltmp4, $2  }
0x49: {  	_ =	sdelay $0x2  }
0x4a: {  	s15 =	sadd.s32 $0x400, s15;
	s17 =	sadd.s32 s17, s13  }
.Ltmp5:
0x4b: {  	_ = 	snop;
	(pc) =	sbr.rel .LBB2_6-.Ltmp5, $1  }
0x4c: {  	_ =	sdelay $0x3  }
.LBB2_8:
0x4d: {  	_ =	sfence.sel $0x180000  }
0x4e: {  	s2 =	simm.s32 $0x2;
	[bflag:$0x0] =	sbarrier.arrive $0xFFFF  }
0x4f: {  	s30 =	simm.s32 $0x3;
	[sflag:s2] =	ssyncpa.u1 $0x1  }
0x50: {  	s31 =	simm.s32 $0x1;
	[sflag:s30] =	ssyncpa.u1 $0x1  }
0x51: {  	[sflag:s31] =	ssyncpa.u1 $0x1  }
0x52: {  	p0 =	sne.s32 s0, $0x0;
	_ =	strace $0x9000004A  }
0x53: {  	s0 =	sadd.s32 @!p0 $0x100000, s1;
	[bflag:$0x2] =	sbarrier.arrive $0xFFFF  }
0x54: {  	[sflag:s0] =	ssyncadd.tile.s32 @!p0 $0x1;
	_ =	shalt  }
.Lfunc_end2:
_tile_overlayer_lowered:
.L_overlay_start_2:
0x55: {  	(tag) =	ssettag $0x2  }
0x56: {  	s0 =	rddreg [dreg:$0x0];
	s2 =	stileid.u32  }
0x57: {  	s1 =	rddreg [dreg:$0x1];
	p0 =	sne.s32 s2, $0x0  }
0x58: {  	s3 =	rddreg [dreg:$0x2];
	[bflag:$0x3] =	sbarrier.arrive $0xFFFF;
	s2 =	simm.s32 @!p0 $0x1C01  }
0x59: {  	[timem:s3], [sflag:s2] =	dma.local @!p0 [hbm:s0], s1  }
0x5a: {  	s0 =	simm.s32 @!p0 $0x1  }
0x5b: {  	_ =	swait.ge @!p0 [sflag:s0], s1  }
0x5c: {  	s1 =	ssub.s32 @!p0 $0x0, s1;
	[sflag:s0] =	ssyncset.done @!p0 $0x0  }
0x5d: {  	[sflag:s0] =	ssyncadd.s32 @!p0 s1  }
0x5e: {  	[bflag:$0x3] =	sbarrier.arrive $0xFFFF  }
0x5f: {  	_ =	shalt  }

// kernel: gather_offload_async_start
scs
__scs_entry_jumppad:
0x0: {  	(pc) =	sbr.rel $0x88, $3  }
0x1: {  	(tag) =	ssettag $0x0;
	lr =	simm.s32 $0x1  }
0x2: {  	[smem:$0x3F9F] =	sst lr;
	_ =	strace $0xD0000000  }
0x3: {  	_ = 	snop  }
0x4: {  	_ = 	snop  }
0x5: {  	_ = 	snop  }
0x6: {  	_ = 	snop  }
0x7: {  	_ = 	snop  }
__scs_overlays_trampoline_lowered:
0x8: {  	[smem:$0x3FAE] =	sst s0  }
0x9: {  	[smem:$0x3FAF] =	sst s1  }
0xa: {  	[smem:$0x3FB0] =	sst s2  }
0xb: {  	[smem:$0x3FB1] =	sst s3  }
0xc: {  	[smem:$0x3FB2] =	sst s4  }
0xd: {  	[smem:$0x3FB3] =	sst s5  }
0xe: {  	[smem:$0x3FB4] =	sst s6  }
0xf: {  	[smem:$0x3FB5] =	sst s7  }
0x10: {  	[smem:$0x3FB6] =	sst s8  }
0x11: {  	[smem:$0x3FB7] =	sst s9;
	s0 =	simm.s32 @!p0 $0x0  }
0x12: {  	s1 =	sld [smem:$0x3F9D];
	s0 =	simm.s32 @p0 $0x1  }
0x13: {  	[smem:$0x3FB8] =	sst s0;
	s0 =	simm.s32 @!p1 $0x0  }
0x14: {  	s2 =	sld [smem:$0x3F9C];
	s0 =	simm.s32 @p1 $0x1  }
0x15: {  	[smem:$0x3FB9] =	sst s0;
	s0 =	simm.s32 @!p2 $0x0  }
0x16: {  	s3 =	sld [smem:$0x3FDB];
	s0 =	simm.s32 @p2 $0x1  }
0x17: {  	s4 =	simm.s32 $0x1BF5;
	[smem:$0x3FBB] =	sst s0  }
0x18: {  	s0 =	sld [smem:$0x3F9E];
	_ =	swait.ge [sflag:s4], $0x0  }
0x19: {  	s7 =	sld [smem:$0x3F9F]  }
0x1a: {  	s8 =	sadd.s32 $0xFFFFE003, lr  }
0x1b: {  	s9 =	sadd.s32 $0xFFFFFEF7, lr;
	s5 =	simm.s32 $0xFFFFFFFF;
	p2 =	slt.u32 s8, $0xFFFFF086  }
0x1c: {  	p1 =	slt.u32 s9, $0xF7A;
	s5 =	simm.s32 @!p2 $0x0  }
0x1d: {  	s5 =	simm.s32 @p1 $0x1;
	p0 =	seq.s32 s7, s2  }
0x1e: {  	s7 =	smul.u32 @!p0 $0xF7A, s2;
	p2 =	seq.s32 @!p0 s5, $0x0  }
0x1f: {  	s9 =	smul.u32 $0xF7A, s1;
	s8 =	simm.s32 @!p0 $0x1BF5;
	p2 =	por !p2, p0  }
0x20: {  	[sflag:s8] =	ssyncset.s32 @!p0 $0xFFFFF086;
	s6 =	sadd.s32 @!p0 s3, s7;
	s7 =	simm.s32 @!p0 $0x108  }
0x21: {  	s3 =	sadd.s32 s3, s9;
	s6 =	sadd.s32 @!p0 $0x88, s6;
	s7 =	simm.s32 @p2 $0x1082  }
0x22: {  	[simem:s7], [sflag:s8] =	dma.local @!p0 [hbm:s6], $0xF7A  }
0x23: {  	s9 =	sor.u32 $0xD0000000, s2;
	s6 =	simm.s32 $0x108;
	_ =	swait.ge @!p0 [sflag:s8], $0x0  }
0x24: {  	s3 =	sadd.s32 $0x88, s3;
	s6 =	simm.s32 @!p1 $0x1082;
	[sflag:s4] =	ssyncset.s32 $0xFFFFF086  }
0x25: {  	[simem:s6], [sflag:s4] =	dma.local [hbm:s3], $0xF7A  }
0x26: {  	[smem:$0x3F9F] =	sst s1;
	(tag) =	ssettag s2;
	_ =	strace s9  }
0x27: {  	s1 =	sld [smem:$0x3FAF]  }
0x28: {  	s2 =	sld [smem:$0x3FB0]  }
0x29: {  	s4 =	sld [smem:$0x3FB2]  }
0x2a: {  	p0 =	seq.s32 s5, $0x0;
	s5 =	sld [smem:$0x3FB3]  }
0x2b: {  	s6 =	sld [smem:$0x3FB4]  }
0x2c: {  	s7 =	sld [smem:$0x3FB5]  }
0x2d: {  	s3 =	simm.s32 $0x108;
	s8 =	sld [smem:$0x3FB6]  }
0x2e: {  	s3 =	simm.s32 @!p0 $0x1082;
	s9 =	sld [smem:$0x3FB7]  }
0x2f: {  	lr =	sadd.s32 s0, s3;
	s0 =	sld [smem:$0x3FAE]  }
0x30: {  	s3 =	sld [smem:$0x3FB1]  }
0x31: {  	[smem:$0x3FBA] =	sst s10  }
0x32: {  	s10 =	sld [smem:$0x3FB8];
	_ =	sdelay $0x3  }
0x33: {  	p0 =	seq.s32 s10, $0x1;
	s10 =	sld [smem:$0x3FBA];
	_ =	sdelay $0x3  }
0x34: {  	[smem:$0x3FBA] =	sst s10  }
0x35: {  	s10 =	sld [smem:$0x3FB9];
	_ =	sdelay $0x3  }
0x36: {  	p1 =	seq.s32 s10, $0x1;
	s10 =	sld [smem:$0x3FBA];
	_ =	sdelay $0x3  }
0x37: {  	[smem:$0x3FBA] =	sst s10  }
0x38: {  	s10 =	sld [smem:$0x3FBB]  }
0x39: {  	_ = 	snop;
	(pc) =	sbr.ind lr, $3  }
0x3a: {  	_ = 	snop  }
0x3b: {  	_ = 	snop  }
0x3c: {  	p2 =	seq.s32 s10, $0x1;
	s10 =	sld [smem:$0x3FBA]  }
0x3d: {  	_ =	shalt  }
0x3e: {  	_ =	shalt  }
0x3f: {  	_ =	shalt  }
0x40: {  	_ =	shalt  }
0x41: {  	_ =	shalt  }
0x42: {  	_ =	shalt  }
0x43: {  	_ =	shalt  }
0x44: {  	_ =	shalt  }
0x45: {  	_ =	shalt  }
0x46: {  	_ =	shalt  }
0x47: {  	_ =	shalt  }
0x48: {  	_ =	shalt  }
0x49: {  	_ =	shalt  }
0x4a: {  	_ =	shalt  }
0x4b: {  	_ =	shalt  }
0x4c: {  	_ =	shalt  }
0x4d: {  	_ =	shalt  }
0x4e: {  	_ =	shalt  }
0x4f: {  	_ =	shalt  }
0x50: {  	_ =	shalt  }
0x51: {  	_ =	shalt  }
0x52: {  	_ =	shalt  }
0x53: {  	_ =	shalt  }
0x54: {  	_ =	shalt  }
0x55: {  	_ =	shalt  }
0x56: {  	_ =	shalt  }
0x57: {  	_ =	shalt  }
0x58: {  	_ =	shalt  }
0x59: {  	_ =	shalt  }
0x5a: {  	_ =	shalt  }
0x5b: {  	_ =	shalt  }
0x5c: {  	_ =	shalt  }
0x5d: {  	_ =	shalt  }
0x5e: {  	_ =	shalt  }
0x5f: {  	_ =	shalt  }
0x60: {  	_ =	shalt  }
0x61: {  	_ =	shalt  }
0x62: {  	_ =	shalt  }
0x63: {  	_ =	shalt  }
0x64: {  	_ =	shalt  }
0x65: {  	_ =	shalt  }
0x66: {  	_ =	shalt  }
0x67: {  	_ =	shalt  }
0x68: {  	_ =	shalt  }
0x69: {  	_ =	shalt  }
0x6a: {  	_ =	shalt  }
0x6b: {  	_ =	shalt  }
0x6c: {  	_ =	shalt  }
0x6d: {  	_ =	shalt  }
0x6e: {  	_ =	shalt  }
0x6f: {  	_ =	shalt  }
0x70: {  	_ =	shalt  }
0x71: {  	_ =	shalt  }
0x72: {  	_ =	shalt  }
0x73: {  	_ =	shalt  }
0x74: {  	_ =	shalt  }
0x75: {  	_ =	shalt  }
0x76: {  	_ =	shalt  }
0x77: {  	_ =	shalt  }
0x78: {  	_ =	shalt  }
0x79: {  	_ =	shalt  }
0x7a: {  	_ =	shalt  }
0x7b: {  	_ =	shalt  }
0x7c: {  	_ =	shalt  }
0x7d: {  	_ =	shalt  }
0x7e: {  	_ =	shalt  }
0x7f: {  	_ =	shalt  }
0x80: {  	_ =	shalt  }
0x81: {  	_ =	shalt  }
0x82: {  	_ =	shalt  }
0x83: {  	_ =	shalt  }
0x84: {  	_ =	shalt  }
0x85: {  	_ =	shalt  }
0x86: {  	_ =	shalt  }
0x87: {  	_ =	shalt  }
.Lfunc_end0:
.L_simem_size_0:
called_computation_lowered:
.L_overlay_start_0:
0x88: {  	s2 =	sld [smem:$0x3FD9]  }
0x89: {  	s3 =	sld [smem:$0x3FFE];
	_ =	sdelay $0x1  }
0x8a: {  	s1 =	srdreg.scid  }
0x8b: {  	s0 =	sand.u32 $0x1, s1  }
0x8c: {  	s17 =	sshll.u32 s0, $0xA;
	s2 =	sadd.s32 s3, s2  }
0x8d: {  	s2 =	sadd.s32 s2, s17  }
0x8e: {  	[smem:$0x3FC6] =	sst s2  }
0x8f: {  	_ = 	snop  }
0x90: {  	(tm) =	ssettm $0x1  }
0x91: {  	s18 =	sld [smem:$0x3FFB];
	_ =	sdelay $0x3  }
0x92: {  	_ =	strace s18  }
0x93: {  	s2 =	sld [smem:$0x3FFC];
	_ =	sdelay $0x3  }
0x94: {  	_ =	strace s2  }
0x95: {  	s2 =	sld [smem:$0x3FFD];
	_ =	sdelay $0x3  }
0x96: {  	_ =	strace s2  }
0x97: {  	_ =	strace $0x8FFFFFFF  }
0x98: {  	s19 =	sld [smem:$0x3FDB];
	_ =	sdelay $0x1  }
0x99: {  	s20 =	simm.s32 $_scs_section_size  }
0x9a: {  	s4 =	simm.s32 $_size__tile_overlayer_lowered;
	s5 =	simm.s32 $_tile_overlayer_lowered  }
0x9b: {  	s6 =	simm.s32 $0x1BFF;
	s21 =	sshll.u32 s5, $0x1;
	s3 =	sadd.s32 s20, s19  }
0x9c: {  	s22 =	simm.s32 $0x0;
	s4 =	sshll.u32 s4, $0x1;
	s5 =	sadd.s32 s21, s3  }
0x9d: {  	[timem:s22], [sflag:s6] =	dma.local [hbm:s5], s4  }
0x9e: {  	_ =	swait.ge [sflag:s6], s4  }
0x9f: {  	s4 =	ssub.s32 $0x0, s4;
	[sflag:s6] =	ssyncset.done $0x0  }
0xa0: {  	[sflag:s6] =	ssyncadd.s32 s4;
	_ =	sdelay $0x1  }
0xa1: {  	s23 =	simm.s32 $0x1B8B  }
0xa2: {  	_ =	swait.ge [sflag:s23], $0x1  }
0xa3: {  	[sflag:s23] =	ssyncset.done $0x0  }
0xa4: {  	[sflag:s23] =	ssyncadd.s32 $0xFFFFFFFF  }
0xa5: {  	s4 =	sld [smem:$0x0]  }
0xa6: {  	s5 =	sand.u32 $0xFFFFFFFE, s1  }
0xa7: {  	p0 =	sne.s32 s1, s5  }
0xa8: {  	s5 =	sshll.u32 @p0 s5, $0xE  }
0xa9: {  	s5 =	sadd.s32 @p0 $0x11B8D, s5;
	s6 =	sshll.u32 @p0 s4, $0x11  }
0xaa: {  	s5 =	sor.u32 @p0 s6, s5  }
0xab: {  	[sflag:s5] =	ssyncadd.remote.s32 @p0 $0x1;
	_ =	sdelay $0x1  }
0xac: {  	s5 =	simm.s32 @p0 $0x1B8D  }
0xad: {  	_ =	swait.eq @p0 [sflag:s5], $0x1  }
0xae: {  	[sflag:s5] =	ssyncadd.s32 @p0 $0xFFFFFFFF  }
0xaf: {  	s6 =	sshll.u32 @!p0 s1, $0xE  }
0xb0: {  	s6 =	sor.u32 @!p0 $0x4000, s6;
	s5 =	simm.s32 @!p0 $0x1B8D  }
0xb1: {  	s4 =	sshll.u32 @!p0 s4, $0x11;
	s6 =	sadd.s32 @!p0 $0x11B8D, s6;
	_ =	swait.eq @!p0 [sflag:s5], $0x1  }
0xb2: {  	s4 =	sor.u32 @!p0 s4, s6;
	[sflag:s5] =	ssyncadd.s32 @!p0 $0xFFFFFFFF  }
0xb3: {  	s25 =	simm.s32 $0x1B8E;
	s24 =	sld [smem:$0x3FFE];
	[sflag:s4] =	ssyncadd.remote.s32 @!p0 $0x1  }
0xb4: {  	s26 =	simm.s32 $execute0_lowered;
	[smem:$0x3FD2] =	sst s25  }
0xb5: {  	s5 =	sshll.u32 s26, $0x1;
	_ =	strace $0x80000046;
	[dreg:$0x1] =	wrdreg $0xFFFFFFFF  }
0xb6: {  	s28 =	simm.s32 $_size_execute0_lowered;
	s3 =	sadd.s32 s3, s5;
	[dreg:$0x0] =	wrdreg $0x0  }
0xb7: {  	s5 =	sshll.u32 s28, $0x1;
	[dreg:$0x2] =	wrdreg s3  }
0xb8: {  	[dreg:$0x3] =	wrdreg s5  }
0xb9: {  	[dreg:$0x4] =	wrdreg $0xC0  }
0xba: {  	_ =	task [dreg:s22], $0x5FFFF  }
0xbb: {  	[dreg:$0x1] =	wrdreg $0xFFFFFFFF  }
0xbc: {  	[dreg:$0x0] =	wrdreg $0x60  }
0xbd: {  	[dreg:$0x2] =	wrdreg s24  }
0xbe: {  	[dreg:$0x3] =	wrdreg $0x9  }
0xbf: {  	_ =	task.clear_ibuf [dreg:s22], $0x4FFFF;
	_ =	strace $0x90000046  }
0xc0: {  	s29 =	simm.s32 $0x9;
	_ =	strace $0x80000048  }
0xc1: {  	_ =	swait.ge [sflag:s29], $0x1  }
0xc2: {  	[sflag:s29] =	ssyncadd.s32 $0xFFFFFFFF  }
0xc3: {  	_ =	strace $0x90000048  }
0xc4: {  	_ =	sfence  }
0xc5: {  	s30 =	sld [smem:$0x0];
	_ =	sdelay $0x2  }
0xc6: {  	s31 =	sshll.u32 s1, $0xD;
	s1 =	sshrl.u32 s1, $0x2  }
0xc7: {  	s4 =	sand.u32 $0x4000, s31;
	s1 =	sadd.s32 s1, s30  }
0xc8: {  	s0 =	sor.u32 s4, s0;
	s1 =	sshll.u32 s1, $0x11  }
0xc9: {  	s0 =	sor.u32 s1, s0  }
0xca: {  	s0 =	sadd.s32 $0x8F2B, s0  }
0xcb: {  	[sflag:s0] =	ssyncadd.remote.s32 $0x1  }
0xcc: {  	_ =	sfence.sel $0xFFFF  }
0xcd: {  	[dreg:$0x0] =	wrdreg $0xFFFFFFFF;
	(pc) =	sbr.abs _section_cstart, $3  }
0xce: {  	[dreg:$0x1] =	wrdreg $0xFFFFFFFF  }
0xcf: {  	_ =	task.clear_ibuf [dreg:s22], $0x2FFFF;
	_ =	strace $0x9FFFFFFF  }
0xd0: {  	(tm) =	ssettm $0x7FFFFFFF  }
0xd1: {  	_ =	shalt  }
tec
execute0_lowered:
.L_overlay_start_1:
0x0: {  	(tag) =	ssettag $0x1  }
0x1: {  	s0 =	srdreg.scid;
	s5 =	rddreg [dreg:$0x0]  }
0x2: {  	s1 =	stileid.u32;
	s6 =	simm.s32 $0x1;
	s9 =	simm.s32 $0x1  }
0x3: {  	s10 =	simm.s32 $0x3;
	s13 =	simm.s32 $0x0;
	s2 =	sshll.u32 s0, $0x9  }
0x4: {  	s12 =	simm.s32 $0x0;
	s3 =	sshll.u32 s1, $0xA;
	s2 =	sand.u32 $0x200, s2  }
0x5: {  	s0 =	rddreg [dreg:$0x1];
	_ =	strace $0x80000047;
	s2 =	sor.u32 s3, s2  }
0x6: {  	s4 =	sadd.s32 $0x1C00, s5;
	[sflag:s6] =	ssyncpa.u1 $0x0;
	s8 =	ssub.s32 $0x5000, s2  }
.Ltmp0:
0x7: {  	s3 =	sadd.s32 $0x1200, s5;
	s7 =	sand.u32 $0x3E00, s8;
	(pc) =	sbr.rel .LBB2_1-.Ltmp0, $4  }
0x8: {  	s5 =	sadd.s32 $0xA2600, s5;
	s11 =	smov.u32 s2;
	p0 =	sne.s32 s7, $0x0  }
0x9: {  	s8 =	sshrl.u32 s8, $0xE;
	s7 =	simm.s32 $0x2;
	s9 =	simm.s32 @!p0 $0x0  }
0xa: {  	[sflag:s7] =	ssyncpa.u1 $0x0;
	p0 =	por $0x0, $0x0;
	s8 =	sadd.s32 s9, s8  }
0xb: {  	vm0 =	vmmov $0xffff;
	[sflag:s10] =	ssyncpa.u1 $0x0;
	s10 =	simm.s32 $0x0;
	s9 =	sadd.s32 $0x1, s8  }
.LBB2_4:
0xc: {  	v2 =	vnsel vm1, $0x0, v2  }
0xd: {  	vm1 =	vgt.s32 v0, $0x0;
	v2 =	vmin.u32 v2, $0x4FFF  }
0xe: {  	v0 =	vnsel vm1, $0x0, v0  }
0xf: {  	v0 =	vmin.u32 v0, $0x4FFF  }
0x10: {  	[tilespmem:s15], [sflag:$0x1] =	stream.indirect_vreg.gather [hbm4b:s3+s10], $0x1, v1, vm0, $0x4038;
	[tilespmem:$0x800] =	vst v63  }
0x11: {  	(ifvalue) =	ssetifvalue $0x7FFFFFFF  }
0x12: {  	[tilespmem:s16], [sflag:$0x1] =	stream.indirect_vreg.gather [hbm4b:s3+s10], $0x1, v2, vm0, $0x4038;
	[tilespmem:$0x800] =	vst v63  }
0x13: {  	s29 =	sadd.s32 $0x10, s16;
	(ifvalue) =	ssetifvalue $0x7FFFFFFF  }
0x14: {  	[tilespmem:s29], [sflag:$0x1] =	stream.indirect_vreg.gather [hbm4b:s3+s10], $0x1, v0, vm0, $0x4038;
	[tilespmem:$0x800] =	vst v63  }
0x15: {  	_ =	swait.ge [sflag:s6], $0x200  }
0x16: {  	s30 =	sshrl.u32 s13, $0x3;
	[sflag:s6] =	ssyncset.done $0x0  }
0x17: {  	s31 =	sand.u32 $0x7, s13;
	s15 =	sadd.s32 s5, s30;
	[sflag:s6] =	ssyncadd.s32 $0xFFFFFE00  }
0x18: {  	[hbm4b:s15+s31] =	stream.linear.scatter [tilespmem:s14], [sflag:$0x3], $0x200, $0x38;
	[tilespmem:$0x800] =	vst v63  }
.LBB2_5:
0x19: {  	s15 =	sadd.s32 $0x4000, s11  }
0x1a: {  	p2 =	sgt.s32 s15, $0x4FFF  }
0x1b: {  	s15 =	smov.u32 @p2 s2;
	p2 =	sne.s32 s12, s9  }
.Ltmp1:
0x1c: {  	p1 =	slt.u32 s12, $0x2;
	(pc) =	sbr.rel @!p2 .LBB2_6-.Ltmp1, $4  }
0x1d: {  	s14 =	simm.s32 @!p1 $0x3  }
0x1e: {  	s16 =	sadd.s32 $0x1, s12;
	_ =	swait.ge @!p1 [sflag:s14], $0x200  }
0x1f: {  	s13 =	smov.u32 s11;
	p0 =	por !p0, !p0;
	[sflag:s14] =	ssyncset.done @!p1 $0x0  }
0x20: {  	s12 =	smov.u32 s16;
	s11 =	smov.u32 s15;
	[sflag:s14] =	ssyncadd.s32 @!p1 $0xFFFFFE00  }
.LBB2_1:
0x21: {  	p1 =	sge.u32 s12, s8  }
0x22: {  	s14 =	sxor.u32 @!p1 $0xFFFFFFFF, s12  }
0x23: {  	s31 =	sadd.s32 $0xFFFFFFFF, s12;
	s15 =	sshrl.u32 @!p1 s11, $0x3;
	s14 =	sshll.u32 @!p1 s14, $0x9  }
0x24: {  	s16 =	sand.u32 @!p1 $0x7, s11;
	s15 =	sadd.s32 @!p1 s4, s15;
	s14 =	sand.u32 @!p1 $0x200, s14  }
0x25: {  	[tilespmem:s14], [sflag:$0x2] =	stream.linear.gather @!p1 [hbm4b:s15+s16], $0x200, $0x38;
	[tilespmem:$0x800] =	vst v63  }
0x26: {  	p1 =	sge.u32 s31, s8  }
.Ltmp2:
0x27: {  	_ = 	snop;
	(pc) =	sbr.rel @p1 .LBB2_5-.Ltmp2, $1  }
0x28: {  	_ =	sdelay $0x3  }
0x29: {  	s14 =	simm.s32 $0x1  }
0x2a: {  	_ =	swait.ge [sflag:s7], $0x200;
	s14 =	simm.s32 @!p0 $0x0  }
0x2b: {  	[sflag:s7] =	ssyncset.done $0x0;
	s14 =	sshll.u32 s14, $0x9  }
0x2c: {  	[sflag:s7] =	ssyncadd.s32 $0xFFFFFE00;
	(ifvalue) =	ssetifvalue $0x7FFFFFFF;
	v0 =	vld.msk [tilespmem:s14+$0x0 ss:$0x1], $0xffff;
	_ =	sdelay $0x4  }
0x2d: {  	s15 =	sadd.s32 $0x10, s14;
	vm1 =	vgt.s32 v0, $0x0  }
0x2e: {  	v2 =	vld.msk [tilespmem:s15+$0x0 ss:$0x1], $0xffff;
	v1 =	vnsel vm1, $0x0, v0  }
0x2f: {  	v1 =	vmin.u32 v1, $0x4FFF;
	_ =	sdelay $0x1  }
0x30: {  	s16 =	sshll.u32 s12, $0x9;
	s18 =	simm.s32 $0x20  }
0x31: {  	s16 =	sand.u32 $0x200, s16;
	s17 =	sadd.s32 $0x10, s15;
	s15 =	sor.u32 $0x400, s14  }
0x32: {  	s14 =	sor.u32 $0x400, s16;
	s16 =	sadd.s32 $0x10, s15;
	v0 =	vld.msk [tilespmem:s17+$0x0 ss:$0x1], $0xffff;
	vm1 =	vgt.s32 v2, $0x0;
	(ifvalue) =	ssetifvalue $0x7FFFFFFF  }
.LBB2_3:
0x33: {  	[tilespmem:s15], [sflag:$0x1] =	stream.indirect_vreg.gather [hbm4b:s3+s10], $0x1, v1, vm0, $0x4038;
	[tilespmem:$0x800] =	vst v63  }
0x34: {  	s18 =	sadd.s32 $0x10, s18  }
0x35: {  	v2 =	vnsel vm1, $0x0, v2;
	p1 =	slt.u32 s18, $0x1F0  }
.Ltmp3:
0x36: {  	s15 =	smov.u32 s16;
	v1 =	vmin.u32 v2, $0x4FFF;
	(pc) =	sbr.rel @p1 .LBB2_3-.Ltmp3, $3  }
0x37: {  	_ =	sdelay $0x1  }
0x38: {  	s17 =	sadd.s32 $0x10, s17  }
0x39: {  	vm1 =	vgt.s32 v0, $0x0;
	s16 =	sadd.s32 $0x10, s16;
	v2 =	vmov v0;
	(ifvalue) =	ssetifvalue $0x7FFFFFFF;
	v0 =	vld.msk [tilespmem:s17+$0x0 ss:$0x1], $0xffff  }
.Ltmp4:
0x3a: {  	_ = 	snop;
	(pc) =	sbr.rel .LBB2_4-.Ltmp4, $1  }
0x3b: {  	_ =	sdelay $0x3  }
.LBB2_6:
0x3c: {  	_ =	sfence.sel $0x180000  }
0x3d: {  	s2 =	simm.s32 $0x2;
	[bflag:$0x0] =	sbarrier.arrive $0xFFFF  }
0x3e: {  	s30 =	simm.s32 $0x3;
	[sflag:s2] =	ssyncpa.u1 $0x1  }
0x3f: {  	s31 =	simm.s32 $0x1;
	[sflag:s30] =	ssyncpa.u1 $0x1  }
0x40: {  	[sflag:s31] =	ssyncpa.u1 $0x1  }
0x41: {  	p0 =	sne.s32 s1, $0x0;
	_ =	strace $0x90000047  }
0x42: {  	s0 =	sadd.s32 @!p0 $0x100000, s0;
	[bflag:$0x2] =	sbarrier.arrive $0xFFFF  }
0x43: {  	[sflag:s0] =	ssyncadd.tile.s32 @!p0 $0x1;
	_ =	shalt  }
.Lfunc_end2:
_tile_overlayer_lowered:
.L_overlay_start_2:
0x44: {  	(tag) =	ssettag $0x2  }
0x45: {  	s0 =	rddreg [dreg:$0x0];
	s2 =	stileid.u32  }
0x46: {  	s1 =	rddreg [dreg:$0x1];
	p0 =	sne.s32 s2, $0x0  }
0x47: {  	s3 =	rddreg [dreg:$0x2];
	[bflag:$0x3] =	sbarrier.arrive $0xFFFF;
	s2 =	simm.s32 @!p0 $0x1C01  }
0x48: {  	[timem:s3], [sflag:s2] =	dma.local @!p0 [hbm:s0], s1  }
0x49: {  	s0 =	simm.s32 @!p0 $0x1  }
0x4a: {  	_ =	swait.ge @!p0 [sflag:s0], s1  }
0x4b: {  	s1 =	ssub.s32 @!p0 $0x0, s1;
	[sflag:s0] =	ssyncset.done @!p0 $0x0  }
0x4c: {  	[sflag:s0] =	ssyncadd.s32 @!p0 s1  }
0x4d: {  	[bflag:$0x3] =	sbarrier.arrive $0xFFFF  }
0x4e: {  	_ =	shalt  }

</sc_bundles>
